<compile_context>
chip_gen: v7x
topology: tpu7x:2x2x1
jax: 0.10.2.dev20260603
libtpu: 0.0.44.dev20260713+nightly
codegen_flags: <defaults>
</compile_context>

<pallas_src>
import functools

import jax
import jax.numpy as jnp
from jax import lax
from jax.experimental import pallas as pl
from jax.experimental.pallas import tpu as pltpu
from jax.experimental.pallas import tpu_sc as plsc

N_NODES = 10000
N_EDGES = 320000
D = 128

NC = 2
NS = 16
NW = NC * NS
CHUNK = 125
NCH = 80
NCHG = 40
NGRP = NCH // NCHG
N_PAD = 10240
RPT = N_PAD // NS

_mesh = plsc.VectorSubcoreMesh(core_axis_name="c", subcore_axis_name="s")


@functools.partial(
    pl.kernel,
    out_type=[
        jax.ShapeDtypeStruct((NC, N_PAD), jnp.float32),
        jax.ShapeDtypeStruct((NC, N_PAD), jnp.float32),
    ],
    mesh=_mesh,
    scratch_types=[
        pltpu.VMEM((NCH, CHUNK), jnp.int32),
        pltpu.VMEM((NCH, CHUNK), jnp.int32),
        pltpu.VMEM((128,), jnp.float32),
        pltpu.VMEM((RPT,), jnp.float32),
        pltpu.VMEM_SHARED((N_PAD,), jnp.float32),
        pltpu.VMEM_SHARED((N_PAD,), jnp.float32),
        pltpu.SemaphoreType.DMA,
        pltpu.SemaphoreType.DMA,
    ],
)
def _sc_degrees(
    s_hbm, r_hbm, sd_out, rd_out, sidx, ridx, ones, zbuf, sdeg, rdeg, dsem0, dsem1
):
    c = lax.axis_index("c")
    s = lax.axis_index("s")
    wid = c * NS + s

    pltpu.async_copy(s_hbm.at[wid], sidx, dsem0)
    pltpu.async_copy(r_hbm.at[wid], ridx, dsem1)

    def fill(i, _):
        ones[pl.ds(i * 16, 16)] = jnp.ones((16,), jnp.float32)
        return _

    lax.fori_loop(0, 8, fill, None)

    def zfill(i, _):
        zbuf[pl.ds(i * 16, 16)] = jnp.zeros((16,), jnp.float32)
        return _

    lax.fori_loop(0, RPT // 16, zfill, None)

    pltpu.make_async_copy(s_hbm.at[wid], sidx, dsem0).wait()
    pltpu.make_async_copy(r_hbm.at[wid], ridx, dsem1).wait()
    pltpu.sync_copy(zbuf, sdeg.at[pl.ds(s * RPT, RPT)])
    pltpu.sync_copy(zbuf, rdeg.at[pl.ds(s * RPT, RPT)])
    plsc.subcore_barrier()

    def body(ch, _):
        pltpu.async_copy(ones.at[pl.ds(0, CHUNK)], sdeg.at[sidx.at[ch]], dsem0, add=True)
        pltpu.async_copy(ones.at[pl.ds(0, CHUNK)], rdeg.at[ridx.at[ch]], dsem1, add=True)

        @pl.when(ch >= 1)
        def _drain():
            pltpu.make_async_copy(
                ones.at[pl.ds(0, CHUNK)], sdeg.at[sidx.at[ch - 1]], dsem0
            ).wait()
            pltpu.make_async_copy(
                ones.at[pl.ds(0, CHUNK)], rdeg.at[ridx.at[ch - 1]], dsem1
            ).wait()

        return _

    lax.fori_loop(0, NCH, body, None)
    pltpu.make_async_copy(
        ones.at[pl.ds(0, CHUNK)], sdeg.at[sidx.at[NCH - 1]], dsem0
    ).wait()
    pltpu.make_async_copy(
        ones.at[pl.ds(0, CHUNK)], rdeg.at[ridx.at[NCH - 1]], dsem1
    ).wait()
    plsc.subcore_barrier()

    pltpu.async_copy(
        sdeg.at[pl.ds(s * RPT, RPT)], sd_out.at[c, pl.ds(s * RPT, RPT)], dsem0
    )
    pltpu.async_copy(
        rdeg.at[pl.ds(s * RPT, RPT)], rd_out.at[c, pl.ds(s * RPT, RPT)], dsem1
    )
    pltpu.make_async_copy(
        sdeg.at[pl.ds(s * RPT, RPT)], sd_out.at[c, pl.ds(s * RPT, RPT)], dsem0
    ).wait()
    pltpu.make_async_copy(
        rdeg.at[pl.ds(s * RPT, RPT)], rd_out.at[c, pl.ds(s * RPT, RPT)], dsem1
    ).wait()


@functools.partial(
    pl.kernel,
    out_type=jax.ShapeDtypeStruct((NC, N_PAD, D), jnp.float32),
    mesh=_mesh,
    scratch_types=[
        pltpu.VMEM((NCHG, CHUNK), jnp.int32),
        pltpu.VMEM((NCHG, CHUNK), jnp.int32),
        pltpu.VMEM((2, CHUNK, D), jnp.float32),
        pltpu.VMEM_SHARED((N_PAD, D), jnp.float32),
        pltpu.SemaphoreType.DMA,
        pltpu.SemaphoreType.DMA,
        pltpu.SemaphoreType.DMA,
        pltpu.SemaphoreType.DMA,
    ],
)
def _sc_aggregate(g_hbm, s_hbm, r_hbm, p_out, sidx, ridx, rows, acc, g0, g1, a0, a1):
    c = lax.axis_index("c")
    s = lax.axis_index("s")
    wid = c * NS + s

    def zfill(i, _):
        for j in range(D // 16):
            rows[0, i, pl.ds(j * 16, 16)] = jnp.zeros((16,), jnp.float32)
        return _

    pltpu.async_copy(s_hbm.at[wid, pl.ds(0, NCHG)], sidx, g0)
    pltpu.async_copy(r_hbm.at[wid, pl.ds(0, NCHG)], ridx, g1)

    lax.fori_loop(0, CHUNK, zfill, None)
    nfull = RPT // CHUNK
    rem = RPT - nfull * CHUNK
    for k in range(nfull):
        pltpu.async_copy(
            rows.at[0], acc.at[pl.ds(s * RPT + k * CHUNK, CHUNK)], (a0, a1)[k % 2]
        )
    if rem:
        pltpu.async_copy(
            rows.at[0, pl.ds(0, rem)],
            acc.at[pl.ds(s * RPT + nfull * CHUNK, rem)],
            (a0, a1)[nfull % 2],
        )
    for k in range(nfull):
        pltpu.make_async_copy(
            rows.at[0], acc.at[pl.ds(s * RPT + k * CHUNK, CHUNK)], (a0, a1)[k % 2]
        ).wait()
    if rem:
        pltpu.make_async_copy(
            rows.at[0, pl.ds(0, rem)],
            acc.at[pl.ds(s * RPT + nfull * CHUNK, rem)],
            (a0, a1)[nfull % 2],
        ).wait()
    pltpu.make_async_copy(s_hbm.at[wid, pl.ds(0, NCHG)], sidx, g0).wait()
    pltpu.make_async_copy(r_hbm.at[wid, pl.ds(0, NCHG)], ridx, g1).wait()
    plsc.subcore_barrier()

    for q in range(NGRP):
        if q:
            pltpu.sync_copy(s_hbm.at[wid, pl.ds(q * NCHG, NCHG)], sidx)
            pltpu.sync_copy(r_hbm.at[wid, pl.ds(q * NCHG, NCHG)], ridx)
        pltpu.async_copy(g_hbm.at[sidx.at[0]], rows.at[0], g0)

        def body(i, _):
            for b in range(2):
                ch = i * 2 + b
                nxt = ch + 1

                @pl.when(nxt < NCHG)
                def _start():
                    pltpu.async_copy(
                        g_hbm.at[sidx.at[nxt]], rows.at[1 - b], (g0, g1)[1 - b]
                    )

                pltpu.make_async_copy(
                    g_hbm.at[sidx.at[ch]], rows.at[b], (g0, g1)[b]
                ).wait()
                pltpu.sync_copy(rows.at[b], acc.at[ridx.at[ch]], add=True)
            return _

        lax.fori_loop(0, NCHG // 2, body, None)
    plsc.subcore_barrier()

    pltpu.sync_copy(acc.at[pl.ds(s * RPT, RPT)], p_out.at[c, pl.ds(s * RPT, RPT)])


def _tc_transform_body(x_ref, w_ref, b_ref, sd_ref, g_ref):
    h = jnp.dot(x_ref[...], w_ref[...], preferred_element_type=jnp.float32)
    h = h + b_ref[...]
    sd = sd_ref[0, :] + sd_ref[1, :]
    g_ref[...] = h * lax.rsqrt(jnp.maximum(sd, 1.0))[:, None]


def _tc_finalize_body(p_ref, rd_ref, o_ref):
    acc = p_ref[0] + p_ref[1]
    rd = rd_ref[0, :] + rd_ref[1, :]
    o_ref[...] = acc * lax.rsqrt(jnp.maximum(rd, 1.0))[:, None]


_ROWS_BLK = 1280


def kernel(x, senders, receivers, weight, bias):
    s_pad = senders.reshape(NW, NCH, CHUNK)
    r_pad = receivers.reshape(NW, NCH, CHUNK)

    sd_p, rd_p = _sc_degrees(s_pad, r_pad)

    g = pl.pallas_call(
        _tc_transform_body,
        grid=(N_PAD // _ROWS_BLK,),
        in_specs=[
            pl.BlockSpec((_ROWS_BLK, D), lambda i: (i, 0)),
            pl.BlockSpec((D, D), lambda i: (0, 0)),
            pl.BlockSpec((1, D), lambda i: (0, 0)),
            pl.BlockSpec((NC, _ROWS_BLK), lambda i: (0, i)),
        ],
        out_specs=pl.BlockSpec((_ROWS_BLK, D), lambda i: (i, 0)),
        out_shape=jax.ShapeDtypeStruct((N_PAD, D), jnp.float32),
    )(x, weight, bias.reshape(1, D), sd_p)

    p = _sc_aggregate(g, s_pad, r_pad)

    out = pl.pallas_call(
        _tc_finalize_body,
        grid=(N_PAD // _ROWS_BLK,),
        in_specs=[
            pl.BlockSpec((NC, _ROWS_BLK, D), lambda i: (0, i, 0)),
            pl.BlockSpec((NC, _ROWS_BLK), lambda i: (0, i)),
        ],
        out_specs=pl.BlockSpec((_ROWS_BLK, D), lambda i: (i, 0)),
        out_shape=jax.ShapeDtypeStruct((N_NODES, D), jnp.float32),
    )(p, rd_p)
    return out

# --- scband reference (transcript-rebuilt; emitter-appended) ---
"""Pipeline reference for scband-gcnlayer-75496935129590 (READ-ONLY COPY).

The authoritative reference and input builder live on the scoring server;
editing this copy changes nothing except your own understanding.
"""

import jax, jax.numpy as jnp
import numpy as np

N_NODES = 10000
N_EDGES = 320000
D_IN = 128
D_OUT = 128


def _xavier_uniform(key, shape, dtype=jnp.float32):
    fan_in, fan_out = shape[0], shape[1]
    limit = np.sqrt(6.0 / (fan_in + fan_out))
    return jax.random.uniform(key, shape, dtype=dtype, minval=-limit, maxval=limit)


def setup_inputs(seed: int = 0) -> dict:
    key = jax.random.key(seed)
    k1, k2, k3, k4 = jax.random.split(key, 4)
    x = jax.random.normal(k1, (N_NODES, D_IN), dtype=jnp.float32)
    senders = jax.random.randint(k2, (N_EDGES,), 0, N_NODES, dtype=jnp.int32)
    receivers = jax.random.randint(k3, (N_EDGES,), 0, N_NODES, dtype=jnp.int32)
    weight = _xavier_uniform(k4, (D_IN, D_OUT))
    bias = jnp.zeros((D_OUT,), dtype=jnp.float32)
    return {"x": x, "senders": senders, "receivers": receivers, "weight": weight, "bias": bias}


def reference(x, senders, receivers, weight, bias):
    # update_node_fn: dense transform
    h = jnp.dot(x, weight) + bias
    total_num_nodes = h.shape[0]
    conv_senders = senders
    conv_receivers = receivers
    # symmetric normalization: D_s^{-1/2} A D_r^{-1/2}
    ones = jnp.ones(conv_senders.shape, dtype=h.dtype)
    sender_degree = jax.ops.segment_sum(ones, conv_senders, total_num_nodes)
    receiver_degree = jax.ops.segment_sum(ones, conv_receivers, total_num_nodes)
    nodes = h * jax.lax.rsqrt(jnp.maximum(sender_degree, 1.0))[:, None]
    nodes = jax.ops.segment_sum(nodes[conv_senders], conv_receivers, total_num_nodes)
    nodes = nodes * jax.lax.rsqrt(jnp.maximum(receiver_degree, 1.0))[:, None]
    return nodes

if __name__ == "__main__":
    import jax
    _d = setup_inputs()
    print(jax.jit(kernel)(*tuple(_d.values())))

</pallas_src>

<mosaic_0001>
#map = affine_map<(d0, d1) -> (0, 0, 0)>
#map1 = affine_map<(d0, d1) -> (0, 0)>
module attributes {stable_mosaic.version = 14 : i64} {
  func.func @_sc_degrees(%arg0: i32, %arg1: i32, %arg2: memref<32x80x125xi32, #tpu.memory_space<hbm>>, %arg3: memref<32x80x125xi32, #tpu.memory_space<hbm>>, %arg4: memref<2x10240xf32, #tpu.memory_space<hbm>>, %arg5: memref<2x10240xf32, #tpu.memory_space<hbm>>, %arg6: memref<80x125xi32, #tpu.memory_space<vmem>>, %arg7: memref<80x125xi32, #tpu.memory_space<vmem>>, %arg8: memref<128xf32, #tpu.memory_space<vmem>>, %arg9: memref<640xf32, #tpu.memory_space<vmem>>, %arg10: memref<10240xf32, #tpu.memory_space<vmem_shared>>, %arg11: memref<10240xf32, #tpu.memory_space<vmem_shared>>, %arg12: memref<!tpu.dma_semaphore, #tpu.memory_space<semaphore_mem>>, %arg13: memref<!tpu.dma_semaphore, #tpu.memory_space<semaphore_mem>>) attributes {dimension_semantics = [#tpu.dimension_semantics<core_parallel>, #tpu.dimension_semantics<subcore_parallel>], iteration_bounds = array<i64: 2, 16>, scalar_prefetch = 0 : i64, scratch_operands = 8 : i64, tpu.core_type = #tpu.core_type<sc_vector_subcore>, window_params = [{transform_indices = #map}, {transform_indices = #map}, {transform_indices = #map1}, {transform_indices = #map1}]} {
    %mul3A = arith.constant 16 : i32
    %mul3A_0 = arith.muli %arg0, %mul3A : i32
    %add3A = arith.addi %mul3A_0, %arg1 : i32
    %dma_start3A = arith.constant 0 : i32
    %dma_start3A_1 = arith.constant 0 : i32
    %dma_start3A_2 = tpu.memref_slice %arg2[%add3A, %dma_start3A, %dma_start3A_1] : memref<32x80x125xi32, #tpu.memory_space<hbm>> -> memref<1x80x125xi32, #tpu.memory_space<hbm>>
    %dma_start3A_3 = tpu.memref_squeeze %dma_start3A_2 : memref<1x80x125xi32, #tpu.memory_space<hbm>> -> memref<80x125xi32, #tpu.memory_space<hbm>>
    %dma_start3A_4 = arith.constant 0 : i32
    %dma_start3A_5 = arith.constant 0 : i32
    %dma_start3A_6 = tpu.memref_slice %arg2[%add3A, %dma_start3A_4, %dma_start3A_5] : memref<32x80x125xi32, #tpu.memory_space<hbm>> -> memref<1x80x125xi32, #tpu.memory_space<hbm>>
    %dma_start3A_7 = tpu.memref_squeeze %dma_start3A_6 : memref<1x80x125xi32, #tpu.memory_space<hbm>> -> memref<80x125xi32, #tpu.memory_space<hbm>>
    tpu.enqueue_dma source(%dma_start3A_7 : memref<80x125xi32, #tpu.memory_space<hbm>>) target(%arg6 : memref<80x125xi32, #tpu.memory_space<vmem>>) target_semaphore(%arg12 : memref<!tpu.dma_semaphore, #tpu.memory_space<semaphore_mem>>)
    %dma_start3A_8 = arith.constant 0 : i32
    %dma_start3A_9 = arith.constant 0 : i32
    %dma_start3A_10 = tpu.memref_slice %arg3[%add3A, %dma_start3A_8, %dma_start3A_9] : memref<32x80x125xi32, #tpu.memory_space<hbm>> -> memref<1x80x125xi32, #tpu.memory_space<hbm>>
    %dma_start3A_11 = tpu.memref_squeeze %dma_start3A_10 : memref<1x80x125xi32, #tpu.memory_space<hbm>> -> memref<80x125xi32, #tpu.memory_space<hbm>>
    %dma_start3A_12 = arith.constant 0 : i32
    %dma_start3A_13 = arith.constant 0 : i32
    %dma_start3A_14 = tpu.memref_slice %arg3[%add3A, %dma_start3A_12, %dma_start3A_13] : memref<32x80x125xi32, #tpu.memory_space<hbm>> -> memref<1x80x125xi32, #tpu.memory_space<hbm>>
    %dma_start3A_15 = tpu.memref_squeeze %dma_start3A_14 : memref<1x80x125xi32, #tpu.memory_space<hbm>> -> memref<80x125xi32, #tpu.memory_space<hbm>>
    tpu.enqueue_dma source(%dma_start3A_15 : memref<80x125xi32, #tpu.memory_space<hbm>>) target(%arg7 : memref<80x125xi32, #tpu.memory_space<vmem>>) target_semaphore(%arg13 : memref<!tpu.dma_semaphore, #tpu.memory_space<semaphore_mem>>)
    %scan3A = arith.constant 0 : i32
    %scan3A_16 = arith.constant 8 : i32
    %scan3A_17 = arith.addi %scan3A, %scan3A_16 : i32
    %scan3A_18 = arith.constant 1 : i32
    scf.for %scan3A_94 = %scan3A to %scan3A_17 step %scan3A_18  : i32 {
      %broadcast_in_dim3A = arith.constant 1.000000e+00 : f32
      %broadcast_in_dim3A_95 = vector.broadcast %broadcast_in_dim3A : f32 to vector<16xf32>
      %mul3A_96 = arith.constant 16 : i32
      %mul3A_97 = arith.muli %scan3A_94, %mul3A_96 : i32
      %swap3A = arith.index_cast %mul3A_97 : i32 to index
      %swap3A_98 = tpu.vector_load %arg8[%swap3A] {strides = array<i32>} : memref<128xf32, #tpu.memory_space<vmem>>, vector<16xf32>,
      %swap3A_99 = vector.shape_cast %swap3A_98 : vector<16xf32> to vector<16xf32>
      %swap3A_100 = vector.shape_cast %broadcast_in_dim3A_95 : vector<16xf32> to vector<16xf32>
      tpu.vector_store %arg8[%swap3A], %swap3A_100 {strides = array<i32>} : memref<128xf32, #tpu.memory_space<vmem>>, vector<16xf32>,
    }
    %scan3A_19 = arith.constant 8 : i32
    %scan3A_20 = arith.constant 0 : i32
    %scan3A_21 = arith.constant 40 : i32
    %scan3A_22 = arith.addi %scan3A_20, %scan3A_21 : i32
    %scan3A_23 = arith.constant 1 : i32
    scf.for %scan3A_94 = %scan3A_20 to %scan3A_22 step %scan3A_23  : i32 {
      %broadcast_in_dim3A = arith.constant 0.000000e+00 : f32
      %broadcast_in_dim3A_95 = vector.broadcast %broadcast_in_dim3A : f32 to vector<16xf32>
      %mul3A_96 = arith.constant 16 : i32
      %mul3A_97 = arith.muli %scan3A_94, %mul3A_96 : i32
      %swap3A = arith.index_cast %mul3A_97 : i32 to index
      %swap3A_98 = tpu.vector_load %arg9[%swap3A] {strides = array<i32>} : memref<640xf32, #tpu.memory_space<vmem>>, vector<16xf32>,
      %swap3A_99 = vector.shape_cast %swap3A_98 : vector<16xf32> to vector<16xf32>
      %swap3A_100 = vector.shape_cast %broadcast_in_dim3A_95 : vector<16xf32> to vector<16xf32>
      tpu.vector_store %arg9[%swap3A], %swap3A_100 {strides = array<i32>} : memref<640xf32, #tpu.memory_space<vmem>>, vector<16xf32>,
    }
    %scan3A_24 = arith.constant 40 : i32
    %dma_wait3A = arith.constant 0 : i32
    %dma_wait3A_25 = arith.constant 0 : i32
    %dma_wait3A_26 = tpu.memref_slice %arg2[%add3A, %dma_wait3A, %dma_wait3A_25] : memref<32x80x125xi32, #tpu.memory_space<hbm>> -> memref<1x80x125xi32, #tpu.memory_space<hbm>>
    %dma_wait3A_27 = tpu.memref_squeeze %dma_wait3A_26 : memref<1x80x125xi32, #tpu.memory_space<hbm>> -> memref<80x125xi32, #tpu.memory_space<hbm>>
    %dma_wait3A_28 = arith.constant 0 : i32
    %dma_wait3A_29 = arith.constant 0 : i32
    %dma_wait3A_30 = tpu.memref_slice %arg2[%add3A, %dma_wait3A_28, %dma_wait3A_29] : memref<32x80x125xi32, #tpu.memory_space<hbm>> -> memref<1x80x125xi32, #tpu.memory_space<hbm>>
    %dma_wait3A_31 = tpu.memref_squeeze %dma_wait3A_30 : memref<1x80x125xi32, #tpu.memory_space<hbm>> -> memref<80x125xi32, #tpu.memory_space<hbm>>
    tpu.wait_dma2 semaphore(%arg12 : memref<!tpu.dma_semaphore, #tpu.memory_space<semaphore_mem>>) src(%dma_wait3A_31 : memref<80x125xi32, #tpu.memory_space<hbm>>) dst(%arg6 : memref<80x125xi32, #tpu.memory_space<vmem>>)
    %dma_wait3A_32 = arith.constant 0 : i32
    %dma_wait3A_33 = arith.constant 0 : i32
    %dma_wait3A_34 = tpu.memref_slice %arg3[%add3A, %dma_wait3A_32, %dma_wait3A_33] : memref<32x80x125xi32, #tpu.memory_space<hbm>> -> memref<1x80x125xi32, #tpu.memory_space<hbm>>
    %dma_wait3A_35 = tpu.memref_squeeze %dma_wait3A_34 : memref<1x80x125xi32, #tpu.memory_space<hbm>> -> memref<80x125xi32, #tpu.memory_space<hbm>>
    %dma_wait3A_36 = arith.constant 0 : i32
    %dma_wait3A_37 = arith.constant 0 : i32
    %dma_wait3A_38 = tpu.memref_slice %arg3[%add3A, %dma_wait3A_36, %dma_wait3A_37] : memref<32x80x125xi32, #tpu.memory_space<hbm>> -> memref<1x80x125xi32, #tpu.memory_space<hbm>>
    %dma_wait3A_39 = tpu.memref_squeeze %dma_wait3A_38 : memref<1x80x125xi32, #tpu.memory_space<hbm>> -> memref<80x125xi32, #tpu.memory_space<hbm>>
    tpu.wait_dma2 semaphore(%arg13 : memref<!tpu.dma_semaphore, #tpu.memory_space<semaphore_mem>>) src(%dma_wait3A_39 : memref<80x125xi32, #tpu.memory_space<hbm>>) dst(%arg7 : memref<80x125xi32, #tpu.memory_space<vmem>>)
    %mul3A_40 = arith.constant 640 : i32
    %mul3A_41 = arith.muli %arg1, %mul3A_40 : i32
    "tpu.region"() ({
      %run_scoped3A = tpu.sem_alloc : memref<!tpu.dma_semaphore, #tpu.memory_space<semaphore_mem>>
      %dma_start3A_94 = tpu.memref_slice %arg10[%mul3A_41] : memref<10240xf32, #tpu.memory_space<vmem_shared>> -> memref<640xf32, #tpu.memory_space<vmem_shared>>
      %dma_start3A_95 = tpu.memref_slice %arg10[%mul3A_41] : memref<10240xf32, #tpu.memory_space<vmem_shared>> -> memref<640xf32, #tpu.memory_space<vmem_shared>>
      tpu.enqueue_dma source(%arg9 : memref<640xf32, #tpu.memory_space<vmem>>) target(%dma_start3A_95 : memref<640xf32, #tpu.memory_space<vmem_shared>>) target_semaphore(%run_scoped3A : memref<!tpu.dma_semaphore, #tpu.memory_space<semaphore_mem>>)
      %dma_wait3A_96 = tpu.memref_slice %arg10[%mul3A_41] : memref<10240xf32, #tpu.memory_space<vmem_shared>> -> memref<640xf32, #tpu.memory_space<vmem_shared>>
      %dma_wait3A_97 = tpu.memref_slice %arg10[%mul3A_41] : memref<10240xf32, #tpu.memory_space<vmem_shared>> -> memref<640xf32, #tpu.memory_space<vmem_shared>>
      tpu.wait_dma2 semaphore(%run_scoped3A : memref<!tpu.dma_semaphore, #tpu.memory_space<semaphore_mem>>) src(%arg9 : memref<640xf32, #tpu.memory_space<vmem>>) dst(%dma_wait3A_97 : memref<640xf32, #tpu.memory_space<vmem_shared>>)
      tpu.yield
    }) : () -> ()
    %mul3A_42 = arith.constant 640 : i32
    %mul3A_43 = arith.muli %arg1, %mul3A_42 : i32
    "tpu.region"() ({
      %run_scoped3A = tpu.sem_alloc : memref<!tpu.dma_semaphore, #tpu.memory_space<semaphore_mem>>
      %dma_start3A_94 = tpu.memref_slice %arg11[%mul3A_43] : memref<10240xf32, #tpu.memory_space<vmem_shared>> -> memref<640xf32, #tpu.memory_space<vmem_shared>>
      %dma_start3A_95 = tpu.memref_slice %arg11[%mul3A_43] : memref<10240xf32, #tpu.memory_space<vmem_shared>> -> memref<640xf32, #tpu.memory_space<vmem_shared>>
      tpu.enqueue_dma source(%arg9 : memref<640xf32, #tpu.memory_space<vmem>>) target(%dma_start3A_95 : memref<640xf32, #tpu.memory_space<vmem_shared>>) target_semaphore(%run_scoped3A : memref<!tpu.dma_semaphore, #tpu.memory_space<semaphore_mem>>)
      %dma_wait3A_96 = tpu.memref_slice %arg11[%mul3A_43] : memref<10240xf32, #tpu.memory_space<vmem_shared>> -> memref<640xf32, #tpu.memory_space<vmem_shared>>
      %dma_wait3A_97 = tpu.memref_slice %arg11[%mul3A_43] : memref<10240xf32, #tpu.memory_space<vmem_shared>> -> memref<640xf32, #tpu.memory_space<vmem_shared>>
      tpu.wait_dma2 semaphore(%run_scoped3A : memref<!tpu.dma_semaphore, #tpu.memory_space<semaphore_mem>>) src(%arg9 : memref<640xf32, #tpu.memory_space<vmem>>) dst(%dma_wait3A_97 : memref<640xf32, #tpu.memory_space<vmem_shared>>)
      tpu.yield
    }) : () -> ()
    %barrier3A = arith.constant 0 : index
    tpu.barrier barrier_id(%barrier3A)
    %scan3A_44 = arith.constant 0 : i32
    %scan3A_45 = arith.constant 80 : i32
    %scan3A_46 = arith.addi %scan3A_44, %scan3A_45 : i32
    %scan3A_47 = arith.constant 1 : i32
    scf.for %scan3A_94 = %scan3A_44 to %scan3A_46 step %scan3A_47  : i32 {
      %dma_start3A_95 = arith.constant 0 : i32
      %dma_start3A_96 = tpu.memref_slice %arg8[%dma_start3A_95] : memref<128xf32, #tpu.memory_space<vmem>> -> memref<125xf32, #tpu.memory_space<vmem>>
      %dma_start3A_97 = arith.constant 0 : i32
      %dma_start3A_98 = tpu.memref_slice %arg6[%scan3A_94, %dma_start3A_97] : memref<80x125xi32, #tpu.memory_space<vmem>> -> memref<1x125xi32, #tpu.memory_space<vmem>>
      %dma_start3A_99 = tpu.memref_squeeze %dma_start3A_98 : memref<1x125xi32, #tpu.memory_space<vmem>> -> memref<125xi32, #tpu.memory_space<vmem>>
      %dma_start3A_100 = arith.constant 0 : i32
      %dma_start3A_101 = tpu.memref_slice %arg10[%dma_start3A_100] : memref<10240xf32, #tpu.memory_space<vmem_shared>> -> memref<10240xf32, #tpu.memory_space<vmem_shared>>
      tpu.enqueue_indirect_dma source(%dma_start3A_96 : memref<125xf32, #tpu.memory_space<vmem>>) target(%dma_start3A_101 : memref<10240xf32, #tpu.memory_space<vmem_shared>>) offsets(%dma_start3A_99 : memref<125xi32, #tpu.memory_space<vmem>>) semaphore(%arg12 : memref<!tpu.dma_semaphore, #tpu.memory_space<semaphore_mem>>) {add = true}
      %dma_start3A_102 = arith.constant 0 : i32
      %dma_start3A_103 = tpu.memref_slice %arg8[%dma_start3A_102] : memref<128xf32, #tpu.memory_space<vmem>> -> memref<125xf32, #tpu.memory_space<vmem>>
      %dma_start3A_104 = arith.constant 0 : i32
      %dma_start3A_105 = tpu.memref_slice %arg7[%scan3A_94, %dma_start3A_104] : memref<80x125xi32, #tpu.memory_space<vmem>> -> memref<1x125xi32, #tpu.memory_space<vmem>>
      %dma_start3A_106 = tpu.memref_squeeze %dma_start3A_105 : memref<1x125xi32, #tpu.memory_space<vmem>> -> memref<125xi32, #tpu.memory_space<vmem>>
      %dma_start3A_107 = arith.constant 0 : i32
      %dma_start3A_108 = tpu.memref_slice %arg11[%dma_start3A_107] : memref<10240xf32, #tpu.memory_space<vmem_shared>> -> memref<10240xf32, #tpu.memory_space<vmem_shared>>
      tpu.enqueue_indirect_dma source(%dma_start3A_103 : memref<125xf32, #tpu.memory_space<vmem>>) target(%dma_start3A_108 : memref<10240xf32, #tpu.memory_space<vmem_shared>>) offsets(%dma_start3A_106 : memref<125xi32, #tpu.memory_space<vmem>>) semaphore(%arg13 : memref<!tpu.dma_semaphore, #tpu.memory_space<semaphore_mem>>) {add = true}
      %ge3A = arith.constant 1 : i32
      %ge3A_109 = arith.cmpi sge, %scan3A_94, %ge3A : i32
      %convert_element_type3A = arith.extui %ge3A_109 : i1 to i32
      %cond3A = arith.constant 0 : i32
      %cond3A_110 = arith.cmpi ne, %convert_element_type3A, %cond3A : i32
      scf.if %cond3A_110 {
        %sub3A = arith.constant 1 : i32
        %sub3A_111 = arith.subi %scan3A_94, %sub3A : i32
        %dma_wait3A_112 = arith.constant 0 : i32
        %dma_wait3A_113 = tpu.memref_slice %arg8[%dma_wait3A_112] : memref<128xf32, #tpu.memory_space<vmem>> -> memref<125xf32, #tpu.memory_space<vmem>>
        %dma_wait3A_114 = arith.constant 0 : i32
        %dma_wait3A_115 = tpu.memref_slice %arg6[%sub3A_111, %dma_wait3A_114] : memref<80x125xi32, #tpu.memory_space<vmem>> -> memref<1x125xi32, #tpu.memory_space<vmem>>
        %dma_wait3A_116 = tpu.memref_squeeze %dma_wait3A_115 : memref<1x125xi32, #tpu.memory_space<vmem>> -> memref<125xi32, #tpu.memory_space<vmem>>
        %dma_wait3A_117 = arith.constant 0 : i32
        %dma_wait3A_118 = tpu.memref_slice %arg10[%dma_wait3A_117] : memref<10240xf32, #tpu.memory_space<vmem_shared>> -> memref<10240xf32, #tpu.memory_space<vmem_shared>>
        tpu.wait_indirect_dma semaphore(%arg12 : memref<!tpu.dma_semaphore, #tpu.memory_space<semaphore_mem>>) src(%dma_wait3A_113 : memref<125xf32, #tpu.memory_space<vmem>>) dst(%dma_wait3A_118 : memref<10240xf32, #tpu.memory_space<vmem_shared>>)
        %sub3A_119 = arith.constant 1 : i32
        %sub3A_120 = arith.subi %scan3A_94, %sub3A_119 : i32
        %dma_wait3A_121 = arith.constant 0 : i32
        %dma_wait3A_122 = tpu.memref_slice %arg8[%dma_wait3A_121] : memref<128xf32, #tpu.memory_space<vmem>> -> memref<125xf32, #tpu.memory_space<vmem>>
        %dma_wait3A_123 = arith.constant 0 : i32
        %dma_wait3A_124 = tpu.memref_slice %arg7[%sub3A_120, %dma_wait3A_123] : memref<80x125xi32, #tpu.memory_space<vmem>> -> memref<1x125xi32, #tpu.memory_space<vmem>>
        %dma_wait3A_125 = tpu.memref_squeeze %dma_wait3A_124 : memref<1x125xi32, #tpu.memory_space<vmem>> -> memref<125xi32, #tpu.memory_space<vmem>>
        %dma_wait3A_126 = arith.constant 0 : i32
        %dma_wait3A_127 = tpu.memref_slice %arg11[%dma_wait3A_126] : memref<10240xf32, #tpu.memory_space<vmem_shared>> -> memref<10240xf32, #tpu.memory_space<vmem_shared>>
        tpu.wait_indirect_dma semaphore(%arg13 : memref<!tpu.dma_semaphore, #tpu.memory_space<semaphore_mem>>) src(%dma_wait3A_122 : memref<125xf32, #tpu.memory_space<vmem>>) dst(%dma_wait3A_127 : memref<10240xf32, #tpu.memory_space<vmem_shared>>)
      } else {
      }
    }
    %scan3A_48 = arith.constant 80 : i32
    %dma_wait3A_49 = arith.constant 79 : i32
    %dma_wait3A_50 = arith.constant 0 : i32
    %dma_wait3A_51 = tpu.memref_slice %arg8[%dma_wait3A_50] : memref<128xf32, #tpu.memory_space<vmem>> -> memref<125xf32, #tpu.memory_space<vmem>>
    %dma_wait3A_52 = arith.constant 0 : i32
    %dma_wait3A_53 = tpu.memref_slice %arg6[%dma_wait3A_49, %dma_wait3A_52] : memref<80x125xi32, #tpu.memory_space<vmem>> -> memref<1x125xi32, #tpu.memory_space<vmem>>
    %dma_wait3A_54 = tpu.memref_squeeze %dma_wait3A_53 : memref<1x125xi32, #tpu.memory_space<vmem>> -> memref<125xi32, #tpu.memory_space<vmem>>
    %dma_wait3A_55 = arith.constant 0 : i32
    %dma_wait3A_56 = tpu.memref_slice %arg10[%dma_wait3A_55] : memref<10240xf32, #tpu.memory_space<vmem_shared>> -> memref<10240xf32, #tpu.memory_space<vmem_shared>>
    tpu.wait_indirect_dma semaphore(%arg12 : memref<!tpu.dma_semaphore, #tpu.memory_space<semaphore_mem>>) src(%dma_wait3A_51 : memref<125xf32, #tpu.memory_space<vmem>>) dst(%dma_wait3A_56 : memref<10240xf32, #tpu.memory_space<vmem_shared>>)
    %dma_wait3A_57 = arith.constant 79 : i32
    %dma_wait3A_58 = arith.constant 0 : i32
    %dma_wait3A_59 = tpu.memref_slice %arg8[%dma_wait3A_58] : memref<128xf32, #tpu.memory_space<vmem>> -> memref<125xf32, #tpu.memory_space<vmem>>
    %dma_wait3A_60 = arith.constant 0 : i32
    %dma_wait3A_61 = tpu.memref_slice %arg7[%dma_wait3A_57, %dma_wait3A_60] : memref<80x125xi32, #tpu.memory_space<vmem>> -> memref<1x125xi32, #tpu.memory_space<vmem>>
    %dma_wait3A_62 = tpu.memref_squeeze %dma_wait3A_61 : memref<1x125xi32, #tpu.memory_space<vmem>> -> memref<125xi32, #tpu.memory_space<vmem>>
    %dma_wait3A_63 = arith.constant 0 : i32
    %dma_wait3A_64 = tpu.memref_slice %arg11[%dma_wait3A_63] : memref<10240xf32, #tpu.memory_space<vmem_shared>> -> memref<10240xf32, #tpu.memory_space<vmem_shared>>
    tpu.wait_indirect_dma semaphore(%arg13 : memref<!tpu.dma_semaphore, #tpu.memory_space<semaphore_mem>>) src(%dma_wait3A_59 : memref<125xf32, #tpu.memory_space<vmem>>) dst(%dma_wait3A_64 : memref<10240xf32, #tpu.memory_space<vmem_shared>>)
    %barrier3A_65 = arith.constant 0 : index
    tpu.barrier barrier_id(%barrier3A_65)
    %mul3A_66 = arith.constant 640 : i32
    %mul3A_67 = arith.muli %arg1, %mul3A_66 : i32
    %mul3A_68 = arith.constant 640 : i32
    %mul3A_69 = arith.muli %arg1, %mul3A_68 : i32
    %dma_start3A_70 = tpu.memref_slice %arg4[%arg0, %mul3A_69] : memref<2x10240xf32, #tpu.memory_space<hbm>> -> memref<1x640xf32, #tpu.memory_space<hbm>>
    %dma_start3A_71 = tpu.memref_squeeze %dma_start3A_70 : memref<1x640xf32, #tpu.memory_space<hbm>> -> memref<640xf32, #tpu.memory_space<hbm>>
    %dma_start3A_72 = tpu.memref_slice %arg10[%mul3A_67] : memref<10240xf32, #tpu.memory_space<vmem_shared>> -> memref<640xf32, #tpu.memory_space<vmem_shared>>
    tpu.enqueue_dma source(%dma_start3A_72 : memref<640xf32, #tpu.memory_space<vmem_shared>>) target(%dma_start3A_71 : memref<640xf32, #tpu.memory_space<hbm>>) target_semaphore(%arg12 : memref<!tpu.dma_semaphore, #tpu.memory_space<semaphore_mem>>)
    %mul3A_73 = arith.constant 640 : i32
    %mul3A_74 = arith.muli %arg1, %mul3A_73 : i32
    %mul3A_75 = arith.constant 640 : i32
    %mul3A_76 = arith.muli %arg1, %mul3A_75 : i32
    %dma_start3A_77 = tpu.memref_slice %arg5[%arg0, %mul3A_76] : memref<2x10240xf32, #tpu.memory_space<hbm>> -> memref<1x640xf32, #tpu.memory_space<hbm>>
    %dma_start3A_78 = tpu.memref_squeeze %dma_start3A_77 : memref<1x640xf32, #tpu.memory_space<hbm>> -> memref<640xf32, #tpu.memory_space<hbm>>
    %dma_start3A_79 = tpu.memref_slice %arg11[%mul3A_74] : memref<10240xf32, #tpu.memory_space<vmem_shared>> -> memref<640xf32, #tpu.memory_space<vmem_shared>>
    tpu.enqueue_dma source(%dma_start3A_79 : memref<640xf32, #tpu.memory_space<vmem_shared>>) target(%dma_start3A_78 : memref<640xf32, #tpu.memory_space<hbm>>) target_semaphore(%arg13 : memref<!tpu.dma_semaphore, #tpu.memory_space<semaphore_mem>>)
    %mul3A_80 = arith.constant 640 : i32
    %mul3A_81 = arith.muli %arg1, %mul3A_80 : i32
    %mul3A_82 = arith.constant 640 : i32
    %mul3A_83 = arith.muli %arg1, %mul3A_82 : i32
    %dma_wait3A_84 = tpu.memref_slice %arg4[%arg0, %mul3A_83] : memref<2x10240xf32, #tpu.memory_space<hbm>> -> memref<1x640xf32, #tpu.memory_space<hbm>>
    %dma_wait3A_85 = tpu.memref_squeeze %dma_wait3A_84 : memref<1x640xf32, #tpu.memory_space<hbm>> -> memref<640xf32, #tpu.memory_space<hbm>>
    %dma_wait3A_86 = tpu.memref_slice %arg10[%mul3A_81] : memref<10240xf32, #tpu.memory_space<vmem_shared>> -> memref<640xf32, #tpu.memory_space<vmem_shared>>
    tpu.wait_dma2 semaphore(%arg12 : memref<!tpu.dma_semaphore, #tpu.memory_space<semaphore_mem>>) src(%dma_wait3A_86 : memref<640xf32, #tpu.memory_space<vmem_shared>>) dst(%dma_wait3A_85 : memref<640xf32, #tpu.memory_space<hbm>>)
    %mul3A_87 = arith.constant 640 : i32
    %mul3A_88 = arith.muli %arg1, %mul3A_87 : i32
    %mul3A_89 = arith.constant 640 : i32
    %mul3A_90 = arith.muli %arg1, %mul3A_89 : i32
    %dma_wait3A_91 = tpu.memref_slice %arg5[%arg0, %mul3A_90] : memref<2x10240xf32, #tpu.memory_space<hbm>> -> memref<1x640xf32, #tpu.memory_space<hbm>>
    %dma_wait3A_92 = tpu.memref_squeeze %dma_wait3A_91 : memref<1x640xf32, #tpu.memory_space<hbm>> -> memref<640xf32, #tpu.memory_space<hbm>>
    %dma_wait3A_93 = tpu.memref_slice %arg11[%mul3A_88] : memref<10240xf32, #tpu.memory_space<vmem_shared>> -> memref<640xf32, #tpu.memory_space<vmem_shared>>
    tpu.wait_dma2 semaphore(%arg13 : memref<!tpu.dma_semaphore, #tpu.memory_space<semaphore_mem>>) src(%dma_wait3A_93 : memref<640xf32, #tpu.memory_space<vmem_shared>>) dst(%dma_wait3A_92 : memref<640xf32, #tpu.memory_space<hbm>>)
    return
  }
}

#map = affine_map<(d0, d1) -> (0, 0)>
#map1 = affine_map<(d0, d1) -> (0, 0, 0)>
module attributes {stable_mosaic.version = 14 : i64} {
  func.func @_sc_aggregate(%arg0: i32, %arg1: i32, %arg2: memref<10240x128xf32, #tpu.memory_space<hbm>>, %arg3: memref<32x80x125xi32, #tpu.memory_space<hbm>>, %arg4: memref<32x80x125xi32, #tpu.memory_space<hbm>>, %arg5: memref<2x10240x128xf32, #tpu.memory_space<hbm>>, %arg6: memref<40x125xi32, #tpu.memory_space<vmem>>, %arg7: memref<40x125xi32, #tpu.memory_space<vmem>>, %arg8: memref<2x125x128xf32, #tpu.memory_space<vmem>>, %arg9: memref<10240x128xf32, #tpu.memory_space<vmem_shared>>, %arg10: memref<!tpu.dma_semaphore, #tpu.memory_space<semaphore_mem>>, %arg11: memref<!tpu.dma_semaphore, #tpu.memory_space<semaphore_mem>>, %arg12: memref<!tpu.dma_semaphore, #tpu.memory_space<semaphore_mem>>, %arg13: memref<!tpu.dma_semaphore, #tpu.memory_space<semaphore_mem>>) attributes {dimension_semantics = [#tpu.dimension_semantics<core_parallel>, #tpu.dimension_semantics<subcore_parallel>], iteration_bounds = array<i64: 2, 16>, scalar_prefetch = 0 : i64, scratch_operands = 8 : i64, tpu.core_type = #tpu.core_type<sc_vector_subcore>, window_params = [{transform_indices = #map}, {transform_indices = #map1}, {transform_indices = #map1}, {transform_indices = #map1}]} {
    %mul3A = arith.constant 16 : i32
    %mul3A_0 = arith.muli %arg0, %mul3A : i32
    %add3A = arith.addi %mul3A_0, %arg1 : i32
    %dma_start3A = arith.constant 0 : i32
    %dma_start3A_1 = arith.constant 0 : i32
    %dma_start3A_2 = tpu.memref_slice %arg3[%add3A, %dma_start3A, %dma_start3A_1] : memref<32x80x125xi32, #tpu.memory_space<hbm>> -> memref<1x40x125xi32, #tpu.memory_space<hbm>>
    %dma_start3A_3 = tpu.memref_squeeze %dma_start3A_2 : memref<1x40x125xi32, #tpu.memory_space<hbm>> -> memref<40x125xi32, #tpu.memory_space<hbm>>
    %dma_start3A_4 = arith.constant 0 : i32
    %dma_start3A_5 = arith.constant 0 : i32
    %dma_start3A_6 = tpu.memref_slice %arg3[%add3A, %dma_start3A_4, %dma_start3A_5] : memref<32x80x125xi32, #tpu.memory_space<hbm>> -> memref<1x40x125xi32, #tpu.memory_space<hbm>>
    %dma_start3A_7 = tpu.memref_squeeze %dma_start3A_6 : memref<1x40x125xi32, #tpu.memory_space<hbm>> -> memref<40x125xi32, #tpu.memory_space<hbm>>
    tpu.enqueue_dma source(%dma_start3A_7 : memref<40x125xi32, #tpu.memory_space<hbm>>) target(%arg6 : memref<40x125xi32, #tpu.memory_space<vmem>>) target_semaphore(%arg10 : memref<!tpu.dma_semaphore, #tpu.memory_space<semaphore_mem>>)
    %dma_start3A_8 = arith.constant 0 : i32
    %dma_start3A_9 = arith.constant 0 : i32
    %dma_start3A_10 = tpu.memref_slice %arg4[%add3A, %dma_start3A_8, %dma_start3A_9] : memref<32x80x125xi32, #tpu.memory_space<hbm>> -> memref<1x40x125xi32, #tpu.memory_space<hbm>>
    %dma_start3A_11 = tpu.memref_squeeze %dma_start3A_10 : memref<1x40x125xi32, #tpu.memory_space<hbm>> -> memref<40x125xi32, #tpu.memory_space<hbm>>
    %dma_start3A_12 = arith.constant 0 : i32
    %dma_start3A_13 = arith.constant 0 : i32
    %dma_start3A_14 = tpu.memref_slice %arg4[%add3A, %dma_start3A_12, %dma_start3A_13] : memref<32x80x125xi32, #tpu.memory_space<hbm>> -> memref<1x40x125xi32, #tpu.memory_space<hbm>>
    %dma_start3A_15 = tpu.memref_squeeze %dma_start3A_14 : memref<1x40x125xi32, #tpu.memory_space<hbm>> -> memref<40x125xi32, #tpu.memory_space<hbm>>
    tpu.enqueue_dma source(%dma_start3A_15 : memref<40x125xi32, #tpu.memory_space<hbm>>) target(%arg7 : memref<40x125xi32, #tpu.memory_space<vmem>>) target_semaphore(%arg11 : memref<!tpu.dma_semaphore, #tpu.memory_space<semaphore_mem>>)
    %scan3A = arith.constant 0 : i32
    %scan3A_16 = arith.constant 125 : i32
    %scan3A_17 = arith.addi %scan3A, %scan3A_16 : i32
    %scan3A_18 = arith.constant 1 : i32
    scf.for %scan3A_278 = %scan3A to %scan3A_17 step %scan3A_18  : i32 {
      %broadcast_in_dim3A = arith.constant 0.000000e+00 : f32
      %broadcast_in_dim3A_279 = vector.broadcast %broadcast_in_dim3A : f32 to vector<16xf32>
      %swap3A = arith.constant 0 : i32
      %swap3A_280 = arith.index_cast %swap3A : i32 to index
      %swap3A_281 = arith.index_cast %scan3A_278 : i32 to index
      %swap3A_282 = arith.constant 0 : index
      %swap3A_283 = tpu.vector_load %arg8[%swap3A_280, %swap3A_281, %swap3A_282] {strides = array<i32>} : memref<2x125x128xf32, #tpu.memory_space<vmem>>, vector<1x1x16xf32>,
      %swap3A_284 = vector.shape_cast %swap3A_283 : vector<1x1x16xf32> to vector<16xf32>
      %swap3A_285 = vector.shape_cast %broadcast_in_dim3A_279 : vector<16xf32> to vector<1x1x16xf32>
      tpu.vector_store %arg8[%swap3A_280, %swap3A_281, %swap3A_282], %swap3A_285 {strides = array<i32>} : memref<2x125x128xf32, #tpu.memory_space<vmem>>, vector<1x1x16xf32>,
      %broadcast_in_dim3A_286 = arith.constant 0.000000e+00 : f32
      %broadcast_in_dim3A_287 = vector.broadcast %broadcast_in_dim3A_286 : f32 to vector<16xf32>
      %swap3A_288 = arith.constant 0 : i32
      %swap3A_289 = arith.index_cast %swap3A_288 : i32 to index
      %swap3A_290 = arith.index_cast %scan3A_278 : i32 to index
      %swap3A_291 = arith.constant 16 : index
      %swap3A_292 = tpu.vector_load %arg8[%swap3A_289, %swap3A_290, %swap3A_291] {strides = array<i32>} : memref<2x125x128xf32, #tpu.memory_space<vmem>>, vector<1x1x16xf32>,
      %swap3A_293 = vector.shape_cast %swap3A_292 : vector<1x1x16xf32> to vector<16xf32>
      %swap3A_294 = vector.shape_cast %broadcast_in_dim3A_287 : vector<16xf32> to vector<1x1x16xf32>
      tpu.vector_store %arg8[%swap3A_289, %swap3A_290, %swap3A_291], %swap3A_294 {strides = array<i32>} : memref<2x125x128xf32, #tpu.memory_space<vmem>>, vector<1x1x16xf32>,
      %broadcast_in_dim3A_295 = arith.constant 0.000000e+00 : f32
      %broadcast_in_dim3A_296 = vector.broadcast %broadcast_in_dim3A_295 : f32 to vector<16xf32>
      %swap3A_297 = arith.constant 0 : i32
      %swap3A_298 = arith.index_cast %swap3A_297 : i32 to index
      %swap3A_299 = arith.index_cast %scan3A_278 : i32 to index
      %swap3A_300 = arith.constant 32 : index
      %swap3A_301 = tpu.vector_load %arg8[%swap3A_298, %swap3A_299, %swap3A_300] {strides = array<i32>} : memref<2x125x128xf32, #tpu.memory_space<vmem>>, vector<1x1x16xf32>,
      %swap3A_302 = vector.shape_cast %swap3A_301 : vector<1x1x16xf32> to vector<16xf32>
      %swap3A_303 = vector.shape_cast %broadcast_in_dim3A_296 : vector<16xf32> to vector<1x1x16xf32>
      tpu.vector_store %arg8[%swap3A_298, %swap3A_299, %swap3A_300], %swap3A_303 {strides = array<i32>} : memref<2x125x128xf32, #tpu.memory_space<vmem>>, vector<1x1x16xf32>,
      %broadcast_in_dim3A_304 = arith.constant 0.000000e+00 : f32
      %broadcast_in_dim3A_305 = vector.broadcast %broadcast_in_dim3A_304 : f32 to vector<16xf32>
      %swap3A_306 = arith.constant 0 : i32
      %swap3A_307 = arith.index_cast %swap3A_306 : i32 to index
      %swap3A_308 = arith.index_cast %scan3A_278 : i32 to index
      %swap3A_309 = arith.constant 48 : index
      %swap3A_310 = tpu.vector_load %arg8[%swap3A_307, %swap3A_308, %swap3A_309] {strides = array<i32>} : memref<2x125x128xf32, #tpu.memory_space<vmem>>, vector<1x1x16xf32>,
      %swap3A_311 = vector.shape_cast %swap3A_310 : vector<1x1x16xf32> to vector<16xf32>
      %swap3A_312 = vector.shape_cast %broadcast_in_dim3A_305 : vector<16xf32> to vector<1x1x16xf32>
      tpu.vector_store %arg8[%swap3A_307, %swap3A_308, %swap3A_309], %swap3A_312 {strides = array<i32>} : memref<2x125x128xf32, #tpu.memory_space<vmem>>, vector<1x1x16xf32>,
      %broadcast_in_dim3A_313 = arith.constant 0.000000e+00 : f32
      %broadcast_in_dim3A_314 = vector.broadcast %broadcast_in_dim3A_313 : f32 to vector<16xf32>
      %swap3A_315 = arith.constant 0 : i32
      %swap3A_316 = arith.index_cast %swap3A_315 : i32 to index
      %swap3A_317 = arith.index_cast %scan3A_278 : i32 to index
      %swap3A_318 = arith.constant 64 : index
      %swap3A_319 = tpu.vector_load %arg8[%swap3A_316, %swap3A_317, %swap3A_318] {strides = array<i32>} : memref<2x125x128xf32, #tpu.memory_space<vmem>>, vector<1x1x16xf32>,
      %swap3A_320 = vector.shape_cast %swap3A_319 : vector<1x1x16xf32> to vector<16xf32>
      %swap3A_321 = vector.shape_cast %broadcast_in_dim3A_314 : vector<16xf32> to vector<1x1x16xf32>
      tpu.vector_store %arg8[%swap3A_316, %swap3A_317, %swap3A_318], %swap3A_321 {strides = array<i32>} : memref<2x125x128xf32, #tpu.memory_space<vmem>>, vector<1x1x16xf32>,
      %broadcast_in_dim3A_322 = arith.constant 0.000000e+00 : f32
      %broadcast_in_dim3A_323 = vector.broadcast %broadcast_in_dim3A_322 : f32 to vector<16xf32>
      %swap3A_324 = arith.constant 0 : i32
      %swap3A_325 = arith.index_cast %swap3A_324 : i32 to index
      %swap3A_326 = arith.index_cast %scan3A_278 : i32 to index
      %swap3A_327 = arith.constant 80 : index
      %swap3A_328 = tpu.vector_load %arg8[%swap3A_325, %swap3A_326, %swap3A_327] {strides = array<i32>} : memref<2x125x128xf32, #tpu.memory_space<vmem>>, vector<1x1x16xf32>,
      %swap3A_329 = vector.shape_cast %swap3A_328 : vector<1x1x16xf32> to vector<16xf32>
      %swap3A_330 = vector.shape_cast %broadcast_in_dim3A_323 : vector<16xf32> to vector<1x1x16xf32>
      tpu.vector_store %arg8[%swap3A_325, %swap3A_326, %swap3A_327], %swap3A_330 {strides = array<i32>} : memref<2x125x128xf32, #tpu.memory_space<vmem>>, vector<1x1x16xf32>,
      %broadcast_in_dim3A_331 = arith.constant 0.000000e+00 : f32
      %broadcast_in_dim3A_332 = vector.broadcast %broadcast_in_dim3A_331 : f32 to vector<16xf32>
      %swap3A_333 = arith.constant 0 : i32
      %swap3A_334 = arith.index_cast %swap3A_333 : i32 to index
      %swap3A_335 = arith.index_cast %scan3A_278 : i32 to index
      %swap3A_336 = arith.constant 96 : index
      %swap3A_337 = tpu.vector_load %arg8[%swap3A_334, %swap3A_335, %swap3A_336] {strides = array<i32>} : memref<2x125x128xf32, #tpu.memory_space<vmem>>, vector<1x1x16xf32>,
      %swap3A_338 = vector.shape_cast %swap3A_337 : vector<1x1x16xf32> to vector<16xf32>
      %swap3A_339 = vector.shape_cast %broadcast_in_dim3A_332 : vector<16xf32> to vector<1x1x16xf32>
      tpu.vector_store %arg8[%swap3A_334, %swap3A_335, %swap3A_336], %swap3A_339 {strides = array<i32>} : memref<2x125x128xf32, #tpu.memory_space<vmem>>, vector<1x1x16xf32>,
      %broadcast_in_dim3A_340 = arith.constant 0.000000e+00 : f32
      %broadcast_in_dim3A_341 = vector.broadcast %broadcast_in_dim3A_340 : f32 to vector<16xf32>
      %swap3A_342 = arith.constant 0 : i32
      %swap3A_343 = arith.index_cast %swap3A_342 : i32 to index
      %swap3A_344 = arith.index_cast %scan3A_278 : i32 to index
      %swap3A_345 = arith.constant 112 : index
      %swap3A_346 = tpu.vector_load %arg8[%swap3A_343, %swap3A_344, %swap3A_345] {strides = array<i32>} : memref<2x125x128xf32, #tpu.memory_space<vmem>>, vector<1x1x16xf32>,
      %swap3A_347 = vector.shape_cast %swap3A_346 : vector<1x1x16xf32> to vector<16xf32>
      %swap3A_348 = vector.shape_cast %broadcast_in_dim3A_341 : vector<16xf32> to vector<1x1x16xf32>
      tpu.vector_store %arg8[%swap3A_343, %swap3A_344, %swap3A_345], %swap3A_348 {strides = array<i32>} : memref<2x125x128xf32, #tpu.memory_space<vmem>>, vector<1x1x16xf32>,
    }
    %scan3A_19 = arith.constant 125 : i32
    %mul3A_20 = arith.constant 640 : i32
    %mul3A_21 = arith.muli %arg1, %mul3A_20 : i32
    %add3A_22 = arith.constant 0 : i32
    %add3A_23 = arith.addi %mul3A_21, %add3A_22 : i32
    %dma_start3A_24 = arith.constant 0 : i32
    %dma_start3A_25 = arith.constant 0 : i32
    %dma_start3A_26 = arith.constant 0 : i32
    %dma_start3A_27 = tpu.memref_slice %arg8[%dma_start3A_24, %dma_start3A_25, %dma_start3A_26] : memref<2x125x128xf32, #tpu.memory_space<vmem>> -> memref<1x125x128xf32, #tpu.memory_space<vmem>>
    %dma_start3A_28 = tpu.memref_squeeze %dma_start3A_27 : memref<1x125x128xf32, #tpu.memory_space<vmem>> -> memref<125x128xf32, #tpu.memory_space<vmem>>
    %dma_start3A_29 = arith.constant 0 : i32
    %dma_start3A_30 = tpu.memref_slice %arg9[%add3A_23, %dma_start3A_29] : memref<10240x128xf32, #tpu.memory_space<vmem_shared>> -> memref<125x128xf32, #tpu.memory_space<vmem_shared>>
    %dma_start3A_31 = arith.constant 0 : i32
    %dma_start3A_32 = tpu.memref_slice %arg9[%add3A_23, %dma_start3A_31] : memref<10240x128xf32, #tpu.memory_space<vmem_shared>> -> memref<125x128xf32, #tpu.memory_space<vmem_shared>>
    %dma_start3A_33 = arith.constant 0 : i32
    %dma_start3A_34 = arith.constant 0 : i32
    %dma_start3A_35 = tpu.memref_slice %arg8[%dma_start3A_24, %dma_start3A_33, %dma_start3A_34] : memref<2x125x128xf32, #tpu.memory_space<vmem>> -> memref<1x125x128xf32, #tpu.memory_space<vmem>>
    %dma_start3A_36 = tpu.memref_squeeze %dma_start3A_35 : memref<1x125x128xf32, #tpu.memory_space<vmem>> -> memref<125x128xf32, #tpu.memory_space<vmem>>
    tpu.enqueue_dma source(%dma_start3A_36 : memref<125x128xf32, #tpu.memory_space<vmem>>) target(%dma_start3A_32 : memref<125x128xf32, #tpu.memory_space<vmem_shared>>) target_semaphore(%arg12 : memref<!tpu.dma_semaphore, #tpu.memory_space<semaphore_mem>>)
    %mul3A_37 = arith.constant 640 : i32
    %mul3A_38 = arith.muli %arg1, %mul3A_37 : i32
    %add3A_39 = arith.constant 125 : i32
    %add3A_40 = arith.addi %mul3A_38, %add3A_39 : i32
    %dma_start3A_41 = arith.constant 0 : i32
    %dma_start3A_42 = arith.constant 0 : i32
    %dma_start3A_43 = arith.constant 0 : i32
    %dma_start3A_44 = tpu.memref_slice %arg8[%dma_start3A_41, %dma_start3A_42, %dma_start3A_43] : memref<2x125x128xf32, #tpu.memory_space<vmem>> -> memref<1x125x128xf32, #tpu.memory_space<vmem>>
    %dma_start3A_45 = tpu.memref_squeeze %dma_start3A_44 : memref<1x125x128xf32, #tpu.memory_space<vmem>> -> memref<125x128xf32, #tpu.memory_space<vmem>>
    %dma_start3A_46 = arith.constant 0 : i32
    %dma_start3A_47 = tpu.memref_slice %arg9[%add3A_40, %dma_start3A_46] : memref<10240x128xf32, #tpu.memory_space<vmem_shared>> -> memref<125x128xf32, #tpu.memory_space<vmem_shared>>
    %dma_start3A_48 = arith.constant 0 : i32
    %dma_start3A_49 = tpu.memref_slice %arg9[%add3A_40, %dma_start3A_48] : memref<10240x128xf32, #tpu.memory_space<vmem_shared>> -> memref<125x128xf32, #tpu.memory_space<vmem_shared>>
    %dma_start3A_50 = arith.constant 0 : i32
    %dma_start3A_51 = arith.constant 0 : i32
    %dma_start3A_52 = tpu.memref_slice %arg8[%dma_start3A_41, %dma_start3A_50, %dma_start3A_51] : memref<2x125x128xf32, #tpu.memory_space<vmem>> -> memref<1x125x128xf32, #tpu.memory_space<vmem>>
    %dma_start3A_53 = tpu.memref_squeeze %dma_start3A_52 : memref<1x125x128xf32, #tpu.memory_space<vmem>> -> memref<125x128xf32, #tpu.memory_space<vmem>>
    tpu.enqueue_dma source(%dma_start3A_53 : memref<125x128xf32, #tpu.memory_space<vmem>>) target(%dma_start3A_49 : memref<125x128xf32, #tpu.memory_space<vmem_shared>>) target_semaphore(%arg13 : memref<!tpu.dma_semaphore, #tpu.memory_space<semaphore_mem>>)
    %mul3A_54 = arith.constant 640 : i32
    %mul3A_55 = arith.muli %arg1, %mul3A_54 : i32
    %add3A_56 = arith.constant 250 : i32
    %add3A_57 = arith.addi %mul3A_55, %add3A_56 : i32
    %dma_start3A_58 = arith.constant 0 : i32
    %dma_start3A_59 = arith.constant 0 : i32
    %dma_start3A_60 = arith.constant 0 : i32
    %dma_start3A_61 = tpu.memref_slice %arg8[%dma_start3A_58, %dma_start3A_59, %dma_start3A_60] : memref<2x125x128xf32, #tpu.memory_space<vmem>> -> memref<1x125x128xf32, #tpu.memory_space<vmem>>
    %dma_start3A_62 = tpu.memref_squeeze %dma_start3A_61 : memref<1x125x128xf32, #tpu.memory_space<vmem>> -> memref<125x128xf32, #tpu.memory_space<vmem>>
    %dma_start3A_63 = arith.constant 0 : i32
    %dma_start3A_64 = tpu.memref_slice %arg9[%add3A_57, %dma_start3A_63] : memref<10240x128xf32, #tpu.memory_space<vmem_shared>> -> memref<125x128xf32, #tpu.memory_space<vmem_shared>>
    %dma_start3A_65 = arith.constant 0 : i32
    %dma_start3A_66 = tpu.memref_slice %arg9[%add3A_57, %dma_start3A_65] : memref<10240x128xf32, #tpu.memory_space<vmem_shared>> -> memref<125x128xf32, #tpu.memory_space<vmem_shared>>
    %dma_start3A_67 = arith.constant 0 : i32
    %dma_start3A_68 = arith.constant 0 : i32
    %dma_start3A_69 = tpu.memref_slice %arg8[%dma_start3A_58, %dma_start3A_67, %dma_start3A_68] : memref<2x125x128xf32, #tpu.memory_space<vmem>> -> memref<1x125x128xf32, #tpu.memory_space<vmem>>
    %dma_start3A_70 = tpu.memref_squeeze %dma_start3A_69 : memref<1x125x128xf32, #tpu.memory_space<vmem>> -> memref<125x128xf32, #tpu.memory_space<vmem>>
    tpu.enqueue_dma source(%dma_start3A_70 : memref<125x128xf32, #tpu.memory_space<vmem>>) target(%dma_start3A_66 : memref<125x128xf32, #tpu.memory_space<vmem_shared>>) target_semaphore(%arg12 : memref<!tpu.dma_semaphore, #tpu.memory_space<semaphore_mem>>)
    %mul3A_71 = arith.constant 640 : i32
    %mul3A_72 = arith.muli %arg1, %mul3A_71 : i32
    %add3A_73 = arith.constant 375 : i32
    %add3A_74 = arith.addi %mul3A_72, %add3A_73 : i32
    %dma_start3A_75 = arith.constant 0 : i32
    %dma_start3A_76 = arith.constant 0 : i32
    %dma_start3A_77 = arith.constant 0 : i32
    %dma_start3A_78 = tpu.memref_slice %arg8[%dma_start3A_75, %dma_start3A_76, %dma_start3A_77] : memref<2x125x128xf32, #tpu.memory_space<vmem>> -> memref<1x125x128xf32, #tpu.memory_space<vmem>>
    %dma_start3A_79 = tpu.memref_squeeze %dma_start3A_78 : memref<1x125x128xf32, #tpu.memory_space<vmem>> -> memref<125x128xf32, #tpu.memory_space<vmem>>
    %dma_start3A_80 = arith.constant 0 : i32
    %dma_start3A_81 = tpu.memref_slice %arg9[%add3A_74, %dma_start3A_80] : memref<10240x128xf32, #tpu.memory_space<vmem_shared>> -> memref<125x128xf32, #tpu.memory_space<vmem_shared>>
    %dma_start3A_82 = arith.constant 0 : i32
    %dma_start3A_83 = tpu.memref_slice %arg9[%add3A_74, %dma_start3A_82] : memref<10240x128xf32, #tpu.memory_space<vmem_shared>> -> memref<125x128xf32, #tpu.memory_space<vmem_shared>>
    %dma_start3A_84 = arith.constant 0 : i32
    %dma_start3A_85 = arith.constant 0 : i32
    %dma_start3A_86 = tpu.memref_slice %arg8[%dma_start3A_75, %dma_start3A_84, %dma_start3A_85] : memref<2x125x128xf32, #tpu.memory_space<vmem>> -> memref<1x125x128xf32, #tpu.memory_space<vmem>>
    %dma_start3A_87 = tpu.memref_squeeze %dma_start3A_86 : memref<1x125x128xf32, #tpu.memory_space<vmem>> -> memref<125x128xf32, #tpu.memory_space<vmem>>
    tpu.enqueue_dma source(%dma_start3A_87 : memref<125x128xf32, #tpu.memory_space<vmem>>) target(%dma_start3A_83 : memref<125x128xf32, #tpu.memory_space<vmem_shared>>) target_semaphore(%arg13 : memref<!tpu.dma_semaphore, #tpu.memory_space<semaphore_mem>>)
    %mul3A_88 = arith.constant 640 : i32
    %mul3A_89 = arith.muli %arg1, %mul3A_88 : i32
    %add3A_90 = arith.constant 500 : i32
    %add3A_91 = arith.addi %mul3A_89, %add3A_90 : i32
    %dma_start3A_92 = arith.constant 0 : i32
    %dma_start3A_93 = arith.constant 0 : i32
    %dma_start3A_94 = arith.constant 0 : i32
    %dma_start3A_95 = tpu.memref_slice %arg8[%dma_start3A_92, %dma_start3A_93, %dma_start3A_94] : memref<2x125x128xf32, #tpu.memory_space<vmem>> -> memref<1x125x128xf32, #tpu.memory_space<vmem>>
    %dma_start3A_96 = tpu.memref_squeeze %dma_start3A_95 : memref<1x125x128xf32, #tpu.memory_space<vmem>> -> memref<125x128xf32, #tpu.memory_space<vmem>>
    %dma_start3A_97 = arith.constant 0 : i32
    %dma_start3A_98 = tpu.memref_slice %arg9[%add3A_91, %dma_start3A_97] : memref<10240x128xf32, #tpu.memory_space<vmem_shared>> -> memref<125x128xf32, #tpu.memory_space<vmem_shared>>
    %dma_start3A_99 = arith.constant 0 : i32
    %dma_start3A_100 = tpu.memref_slice %arg9[%add3A_91, %dma_start3A_99] : memref<10240x128xf32, #tpu.memory_space<vmem_shared>> -> memref<125x128xf32, #tpu.memory_space<vmem_shared>>
    %dma_start3A_101 = arith.constant 0 : i32
    %dma_start3A_102 = arith.constant 0 : i32
    %dma_start3A_103 = tpu.memref_slice %arg8[%dma_start3A_92, %dma_start3A_101, %dma_start3A_102] : memref<2x125x128xf32, #tpu.memory_space<vmem>> -> memref<1x125x128xf32, #tpu.memory_space<vmem>>
    %dma_start3A_104 = tpu.memref_squeeze %dma_start3A_103 : memref<1x125x128xf32, #tpu.memory_space<vmem>> -> memref<125x128xf32, #tpu.memory_space<vmem>>
    tpu.enqueue_dma source(%dma_start3A_104 : memref<125x128xf32, #tpu.memory_space<vmem>>) target(%dma_start3A_100 : memref<125x128xf32, #tpu.memory_space<vmem_shared>>) target_semaphore(%arg12 : memref<!tpu.dma_semaphore, #tpu.memory_space<semaphore_mem>>)
    %mul3A_105 = arith.constant 640 : i32
    %mul3A_106 = arith.muli %arg1, %mul3A_105 : i32
    %add3A_107 = arith.constant 625 : i32
    %add3A_108 = arith.addi %mul3A_106, %add3A_107 : i32
    %dma_start3A_109 = arith.constant 0 : i32
    %dma_start3A_110 = arith.constant 0 : i32
    %dma_start3A_111 = arith.constant 0 : i32
    %dma_start3A_112 = tpu.memref_slice %arg8[%dma_start3A_109, %dma_start3A_110, %dma_start3A_111] : memref<2x125x128xf32, #tpu.memory_space<vmem>> -> memref<1x15x128xf32, #tpu.memory_space<vmem>>
    %dma_start3A_113 = tpu.memref_squeeze %dma_start3A_112 : memref<1x15x128xf32, #tpu.memory_space<vmem>> -> memref<15x128xf32, #tpu.memory_space<vmem>>
    %dma_start3A_114 = arith.constant 0 : i32
    %dma_start3A_115 = tpu.memref_slice %arg9[%add3A_108, %dma_start3A_114] : memref<10240x128xf32, #tpu.memory_space<vmem_shared>> -> memref<15x128xf32, #tpu.memory_space<vmem_shared>>
    %dma_start3A_116 = arith.constant 0 : i32
    %dma_start3A_117 = tpu.memref_slice %arg9[%add3A_108, %dma_start3A_116] : memref<10240x128xf32, #tpu.memory_space<vmem_shared>> -> memref<15x128xf32, #tpu.memory_space<vmem_shared>>
    %dma_start3A_118 = arith.constant 0 : i32
    %dma_start3A_119 = arith.constant 0 : i32
    %dma_start3A_120 = tpu.memref_slice %arg8[%dma_start3A_109, %dma_start3A_118, %dma_start3A_119] : memref<2x125x128xf32, #tpu.memory_space<vmem>> -> memref<1x15x128xf32, #tpu.memory_space<vmem>>
    %dma_start3A_121 = tpu.memref_squeeze %dma_start3A_120 : memref<1x15x128xf32, #tpu.memory_space<vmem>> -> memref<15x128xf32, #tpu.memory_space<vmem>>
    tpu.enqueue_dma source(%dma_start3A_121 : memref<15x128xf32, #tpu.memory_space<vmem>>) target(%dma_start3A_117 : memref<15x128xf32, #tpu.memory_space<vmem_shared>>) target_semaphore(%arg13 : memref<!tpu.dma_semaphore, #tpu.memory_space<semaphore_mem>>)
    %mul3A_122 = arith.constant 640 : i32
    %mul3A_123 = arith.muli %arg1, %mul3A_122 : i32
    %add3A_124 = arith.constant 0 : i32
    %add3A_125 = arith.addi %mul3A_123, %add3A_124 : i32
    %dma_wait3A = arith.constant 0 : i32
    %dma_wait3A_126 = arith.constant 0 : i32
    %dma_wait3A_127 = arith.constant 0 : i32
    %dma_wait3A_128 = tpu.memref_slice %arg8[%dma_wait3A, %dma_wait3A_126, %dma_wait3A_127] : memref<2x125x128xf32, #tpu.memory_space<vmem>> -> memref<1x125x128xf32, #tpu.memory_space<vmem>>
    %dma_wait3A_129 = tpu.memref_squeeze %dma_wait3A_128 : memref<1x125x128xf32, #tpu.memory_space<vmem>> -> memref<125x128xf32, #tpu.memory_space<vmem>>
    %dma_wait3A_130 = arith.constant 0 : i32
    %dma_wait3A_131 = tpu.memref_slice %arg9[%add3A_125, %dma_wait3A_130] : memref<10240x128xf32, #tpu.memory_space<vmem_shared>> -> memref<125x128xf32, #tpu.memory_space<vmem_shared>>
    %dma_wait3A_132 = arith.constant 0 : i32
    %dma_wait3A_133 = tpu.memref_slice %arg9[%add3A_125, %dma_wait3A_132] : memref<10240x128xf32, #tpu.memory_space<vmem_shared>> -> memref<125x128xf32, #tpu.memory_space<vmem_shared>>
    %dma_wait3A_134 = arith.constant 0 : i32
    %dma_wait3A_135 = arith.constant 0 : i32
    %dma_wait3A_136 = tpu.memref_slice %arg8[%dma_wait3A, %dma_wait3A_134, %dma_wait3A_135] : memref<2x125x128xf32, #tpu.memory_space<vmem>> -> memref<1x125x128xf32, #tpu.memory_space<vmem>>
    %dma_wait3A_137 = tpu.memref_squeeze %dma_wait3A_136 : memref<1x125x128xf32, #tpu.memory_space<vmem>> -> memref<125x128xf32, #tpu.memory_space<vmem>>
    tpu.wait_dma2 semaphore(%arg12 : memref<!tpu.dma_semaphore, #tpu.memory_space<semaphore_mem>>) src(%dma_wait3A_137 : memref<125x128xf32, #tpu.memory_space<vmem>>) dst(%dma_wait3A_133 : memref<125x128xf32, #tpu.memory_space<vmem_shared>>)
    %mul3A_138 = arith.constant 640 : i32
    %mul3A_139 = arith.muli %arg1, %mul3A_138 : i32
    %add3A_140 = arith.constant 125 : i32
    %add3A_141 = arith.addi %mul3A_139, %add3A_140 : i32
    %dma_wait3A_142 = arith.constant 0 : i32
    %dma_wait3A_143 = arith.constant 0 : i32
    %dma_wait3A_144 = arith.constant 0 : i32
    %dma_wait3A_145 = tpu.memref_slice %arg8[%dma_wait3A_142, %dma_wait3A_143, %dma_wait3A_144] : memref<2x125x128xf32, #tpu.memory_space<vmem>> -> memref<1x125x128xf32, #tpu.memory_space<vmem>>
    %dma_wait3A_146 = tpu.memref_squeeze %dma_wait3A_145 : memref<1x125x128xf32, #tpu.memory_space<vmem>> -> memref<125x128xf32, #tpu.memory_space<vmem>>
    %dma_wait3A_147 = arith.constant 0 : i32
    %dma_wait3A_148 = tpu.memref_slice %arg9[%add3A_141, %dma_wait3A_147] : memref<10240x128xf32, #tpu.memory_space<vmem_shared>> -> memref<125x128xf32, #tpu.memory_space<vmem_shared>>
    %dma_wait3A_149 = arith.constant 0 : i32
    %dma_wait3A_150 = tpu.memref_slice %arg9[%add3A_141, %dma_wait3A_149] : memref<10240x128xf32, #tpu.memory_space<vmem_shared>> -> memref<125x128xf32, #tpu.memory_space<vmem_shared>>
    %dma_wait3A_151 = arith.constant 0 : i32
    %dma_wait3A_152 = arith.constant 0 : i32
    %dma_wait3A_153 = tpu.memref_slice %arg8[%dma_wait3A_142, %dma_wait3A_151, %dma_wait3A_152] : memref<2x125x128xf32, #tpu.memory_space<vmem>> -> memref<1x125x128xf32, #tpu.memory_space<vmem>>
    %dma_wait3A_154 = tpu.memref_squeeze %dma_wait3A_153 : memref<1x125x128xf32, #tpu.memory_space<vmem>> -> memref<125x128xf32, #tpu.memory_space<vmem>>
    tpu.wait_dma2 semaphore(%arg13 : memref<!tpu.dma_semaphore, #tpu.memory_space<semaphore_mem>>) src(%dma_wait3A_154 : memref<125x128xf32, #tpu.memory_space<vmem>>) dst(%dma_wait3A_150 : memref<125x128xf32, #tpu.memory_space<vmem_shared>>)
    %mul3A_155 = arith.constant 640 : i32
    %mul3A_156 = arith.muli %arg1, %mul3A_155 : i32
    %add3A_157 = arith.constant 250 : i32
    %add3A_158 = arith.addi %mul3A_156, %add3A_157 : i32
    %dma_wait3A_159 = arith.constant 0 : i32
    %dma_wait3A_160 = arith.constant 0 : i32
    %dma_wait3A_161 = arith.constant 0 : i32
    %dma_wait3A_162 = tpu.memref_slice %arg8[%dma_wait3A_159, %dma_wait3A_160, %dma_wait3A_161] : memref<2x125x128xf32, #tpu.memory_space<vmem>> -> memref<1x125x128xf32, #tpu.memory_space<vmem>>
    %dma_wait3A_163 = tpu.memref_squeeze %dma_wait3A_162 : memref<1x125x128xf32, #tpu.memory_space<vmem>> -> memref<125x128xf32, #tpu.memory_space<vmem>>
    %dma_wait3A_164 = arith.constant 0 : i32
    %dma_wait3A_165 = tpu.memref_slice %arg9[%add3A_158, %dma_wait3A_164] : memref<10240x128xf32, #tpu.memory_space<vmem_shared>> -> memref<125x128xf32, #tpu.memory_space<vmem_shared>>
    %dma_wait3A_166 = arith.constant 0 : i32
    %dma_wait3A_167 = tpu.memref_slice %arg9[%add3A_158, %dma_wait3A_166] : memref<10240x128xf32, #tpu.memory_space<vmem_shared>> -> memref<125x128xf32, #tpu.memory_space<vmem_shared>>
    %dma_wait3A_168 = arith.constant 0 : i32
    %dma_wait3A_169 = arith.constant 0 : i32
    %dma_wait3A_170 = tpu.memref_slice %arg8[%dma_wait3A_159, %dma_wait3A_168, %dma_wait3A_169] : memref<2x125x128xf32, #tpu.memory_space<vmem>> -> memref<1x125x128xf32, #tpu.memory_space<vmem>>
    %dma_wait3A_171 = tpu.memref_squeeze %dma_wait3A_170 : memref<1x125x128xf32, #tpu.memory_space<vmem>> -> memref<125x128xf32, #tpu.memory_space<vmem>>
    tpu.wait_dma2 semaphore(%arg12 : memref<!tpu.dma_semaphore, #tpu.memory_space<semaphore_mem>>) src(%dma_wait3A_171 : memref<125x128xf32, #tpu.memory_space<vmem>>) dst(%dma_wait3A_167 : memref<125x128xf32, #tpu.memory_space<vmem_shared>>)
    %mul3A_172 = arith.constant 640 : i32
    %mul3A_173 = arith.muli %arg1, %mul3A_172 : i32
    %add3A_174 = arith.constant 375 : i32
    %add3A_175 = arith.addi %mul3A_173, %add3A_174 : i32
    %dma_wait3A_176 = arith.constant 0 : i32
    %dma_wait3A_177 = arith.constant 0 : i32
    %dma_wait3A_178 = arith.constant 0 : i32
    %dma_wait3A_179 = tpu.memref_slice %arg8[%dma_wait3A_176, %dma_wait3A_177, %dma_wait3A_178] : memref<2x125x128xf32, #tpu.memory_space<vmem>> -> memref<1x125x128xf32, #tpu.memory_space<vmem>>
    %dma_wait3A_180 = tpu.memref_squeeze %dma_wait3A_179 : memref<1x125x128xf32, #tpu.memory_space<vmem>> -> memref<125x128xf32, #tpu.memory_space<vmem>>
    %dma_wait3A_181 = arith.constant 0 : i32
    %dma_wait3A_182 = tpu.memref_slice %arg9[%add3A_175, %dma_wait3A_181] : memref<10240x128xf32, #tpu.memory_space<vmem_shared>> -> memref<125x128xf32, #tpu.memory_space<vmem_shared>>
    %dma_wait3A_183 = arith.constant 0 : i32
    %dma_wait3A_184 = tpu.memref_slice %arg9[%add3A_175, %dma_wait3A_183] : memref<10240x128xf32, #tpu.memory_space<vmem_shared>> -> memref<125x128xf32, #tpu.memory_space<vmem_shared>>
    %dma_wait3A_185 = arith.constant 0 : i32
    %dma_wait3A_186 = arith.constant 0 : i32
    %dma_wait3A_187 = tpu.memref_slice %arg8[%dma_wait3A_176, %dma_wait3A_185, %dma_wait3A_186] : memref<2x125x128xf32, #tpu.memory_space<vmem>> -> memref<1x125x128xf32, #tpu.memory_space<vmem>>
    %dma_wait3A_188 = tpu.memref_squeeze %dma_wait3A_187 : memref<1x125x128xf32, #tpu.memory_space<vmem>> -> memref<125x128xf32, #tpu.memory_space<vmem>>
    tpu.wait_dma2 semaphore(%arg13 : memref<!tpu.dma_semaphore, #tpu.memory_space<semaphore_mem>>) src(%dma_wait3A_188 : memref<125x128xf32, #tpu.memory_space<vmem>>) dst(%dma_wait3A_184 : memref<125x128xf32, #tpu.memory_space<vmem_shared>>)
    %mul3A_189 = arith.constant 640 : i32
    %mul3A_190 = arith.muli %arg1, %mul3A_189 : i32
    %add3A_191 = arith.constant 500 : i32
    %add3A_192 = arith.addi %mul3A_190, %add3A_191 : i32
    %dma_wait3A_193 = arith.constant 0 : i32
    %dma_wait3A_194 = arith.constant 0 : i32
    %dma_wait3A_195 = arith.constant 0 : i32
    %dma_wait3A_196 = tpu.memref_slice %arg8[%dma_wait3A_193, %dma_wait3A_194, %dma_wait3A_195] : memref<2x125x128xf32, #tpu.memory_space<vmem>> -> memref<1x125x128xf32, #tpu.memory_space<vmem>>
    %dma_wait3A_197 = tpu.memref_squeeze %dma_wait3A_196 : memref<1x125x128xf32, #tpu.memory_space<vmem>> -> memref<125x128xf32, #tpu.memory_space<vmem>>
    %dma_wait3A_198 = arith.constant 0 : i32
    %dma_wait3A_199 = tpu.memref_slice %arg9[%add3A_192, %dma_wait3A_198] : memref<10240x128xf32, #tpu.memory_space<vmem_shared>> -> memref<125x128xf32, #tpu.memory_space<vmem_shared>>
    %dma_wait3A_200 = arith.constant 0 : i32
    %dma_wait3A_201 = tpu.memref_slice %arg9[%add3A_192, %dma_wait3A_200] : memref<10240x128xf32, #tpu.memory_space<vmem_shared>> -> memref<125x128xf32, #tpu.memory_space<vmem_shared>>
    %dma_wait3A_202 = arith.constant 0 : i32
    %dma_wait3A_203 = arith.constant 0 : i32
    %dma_wait3A_204 = tpu.memref_slice %arg8[%dma_wait3A_193, %dma_wait3A_202, %dma_wait3A_203] : memref<2x125x128xf32, #tpu.memory_space<vmem>> -> memref<1x125x128xf32, #tpu.memory_space<vmem>>
    %dma_wait3A_205 = tpu.memref_squeeze %dma_wait3A_204 : memref<1x125x128xf32, #tpu.memory_space<vmem>> -> memref<125x128xf32, #tpu.memory_space<vmem>>
    tpu.wait_dma2 semaphore(%arg12 : memref<!tpu.dma_semaphore, #tpu.memory_space<semaphore_mem>>) src(%dma_wait3A_205 : memref<125x128xf32, #tpu.memory_space<vmem>>) dst(%dma_wait3A_201 : memref<125x128xf32, #tpu.memory_space<vmem_shared>>)
    %mul3A_206 = arith.constant 640 : i32
    %mul3A_207 = arith.muli %arg1, %mul3A_206 : i32
    %add3A_208 = arith.constant 625 : i32
    %add3A_209 = arith.addi %mul3A_207, %add3A_208 : i32
    %dma_wait3A_210 = arith.constant 0 : i32
    %dma_wait3A_211 = arith.constant 0 : i32
    %dma_wait3A_212 = arith.constant 0 : i32
    %dma_wait3A_213 = tpu.memref_slice %arg8[%dma_wait3A_210, %dma_wait3A_211, %dma_wait3A_212] : memref<2x125x128xf32, #tpu.memory_space<vmem>> -> memref<1x15x128xf32, #tpu.memory_space<vmem>>
    %dma_wait3A_214 = tpu.memref_squeeze %dma_wait3A_213 : memref<1x15x128xf32, #tpu.memory_space<vmem>> -> memref<15x128xf32, #tpu.memory_space<vmem>>
    %dma_wait3A_215 = arith.constant 0 : i32
    %dma_wait3A_216 = tpu.memref_slice %arg9[%add3A_209, %dma_wait3A_215] : memref<10240x128xf32, #tpu.memory_space<vmem_shared>> -> memref<15x128xf32, #tpu.memory_space<vmem_shared>>
    %dma_wait3A_217 = arith.constant 0 : i32
    %dma_wait3A_218 = tpu.memref_slice %arg9[%add3A_209, %dma_wait3A_217] : memref<10240x128xf32, #tpu.memory_space<vmem_shared>> -> memref<15x128xf32, #tpu.memory_space<vmem_shared>>
    %dma_wait3A_219 = arith.constant 0 : i32
    %dma_wait3A_220 = arith.constant 0 : i32
    %dma_wait3A_221 = tpu.memref_slice %arg8[%dma_wait3A_210, %dma_wait3A_219, %dma_wait3A_220] : memref<2x125x128xf32, #tpu.memory_space<vmem>> -> memref<1x15x128xf32, #tpu.memory_space<vmem>>
    %dma_wait3A_222 = tpu.memref_squeeze %dma_wait3A_221 : memref<1x15x128xf32, #tpu.memory_space<vmem>> -> memref<15x128xf32, #tpu.memory_space<vmem>>
    tpu.wait_dma2 semaphore(%arg13 : memref<!tpu.dma_semaphore, #tpu.memory_space<semaphore_mem>>) src(%dma_wait3A_222 : memref<15x128xf32, #tpu.memory_space<vmem>>) dst(%dma_wait3A_218 : memref<15x128xf32, #tpu.memory_space<vmem_shared>>)
    %dma_wait3A_223 = arith.constant 0 : i32
    %dma_wait3A_224 = arith.constant 0 : i32
    %dma_wait3A_225 = tpu.memref_slice %arg3[%add3A, %dma_wait3A_223, %dma_wait3A_224] : memref<32x80x125xi32, #tpu.memory_space<hbm>> -> memref<1x40x125xi32, #tpu.memory_space<hbm>>
    %dma_wait3A_226 = tpu.memref_squeeze %dma_wait3A_225 : memref<1x40x125xi32, #tpu.memory_space<hbm>> -> memref<40x125xi32, #tpu.memory_space<hbm>>
    %dma_wait3A_227 = arith.constant 0 : i32
    %dma_wait3A_228 = arith.constant 0 : i32
    %dma_wait3A_229 = tpu.memref_slice %arg3[%add3A, %dma_wait3A_227, %dma_wait3A_228] : memref<32x80x125xi32, #tpu.memory_space<hbm>> -> memref<1x40x125xi32, #tpu.memory_space<hbm>>
    %dma_wait3A_230 = tpu.memref_squeeze %dma_wait3A_229 : memref<1x40x125xi32, #tpu.memory_space<hbm>> -> memref<40x125xi32, #tpu.memory_space<hbm>>
    tpu.wait_dma2 semaphore(%arg10 : memref<!tpu.dma_semaphore, #tpu.memory_space<semaphore_mem>>) src(%dma_wait3A_230 : memref<40x125xi32, #tpu.memory_space<hbm>>) dst(%arg6 : memref<40x125xi32, #tpu.memory_space<vmem>>)
    %dma_wait3A_231 = arith.constant 0 : i32
    %dma_wait3A_232 = arith.constant 0 : i32
    %dma_wait3A_233 = tpu.memref_slice %arg4[%add3A, %dma_wait3A_231, %dma_wait3A_232] : memref<32x80x125xi32, #tpu.memory_space<hbm>> -> memref<1x40x125xi32, #tpu.memory_space<hbm>>
    %dma_wait3A_234 = tpu.memref_squeeze %dma_wait3A_233 : memref<1x40x125xi32, #tpu.memory_space<hbm>> -> memref<40x125xi32, #tpu.memory_space<hbm>>
    %dma_wait3A_235 = arith.constant 0 : i32
    %dma_wait3A_236 = arith.constant 0 : i32
    %dma_wait3A_237 = tpu.memref_slice %arg4[%add3A, %dma_wait3A_235, %dma_wait3A_236] : memref<32x80x125xi32, #tpu.memory_space<hbm>> -> memref<1x40x125xi32, #tpu.memory_space<hbm>>
    %dma_wait3A_238 = tpu.memref_squeeze %dma_wait3A_237 : memref<1x40x125xi32, #tpu.memory_space<hbm>> -> memref<40x125xi32, #tpu.memory_space<hbm>>
    tpu.wait_dma2 semaphore(%arg11 : memref<!tpu.dma_semaphore, #tpu.memory_space<semaphore_mem>>) src(%dma_wait3A_238 : memref<40x125xi32, #tpu.memory_space<hbm>>) dst(%arg7 : memref<40x125xi32, #tpu.memory_space<vmem>>)
    %barrier3A = arith.constant 0 : index
    tpu.barrier barrier_id(%barrier3A)
    %dma_start3A_239 = arith.constant 0 : i32
    %dma_start3A_240 = arith.constant 0 : i32
    %dma_start3A_241 = arith.constant 0 : i32
    %dma_start3A_242 = arith.constant 0 : i32
    %dma_start3A_243 = tpu.memref_slice %arg8[%dma_start3A_240, %dma_start3A_241, %dma_start3A_242] : memref<2x125x128xf32, #tpu.memory_space<vmem>> -> memref<1x125x128xf32, #tpu.memory_space<vmem>>
    %dma_start3A_244 = tpu.memref_squeeze %dma_start3A_243 : memref<1x125x128xf32, #tpu.memory_space<vmem>> -> memref<125x128xf32, #tpu.memory_space<vmem>>
    %dma_start3A_245 = arith.constant 0 : i32
    %dma_start3A_246 = tpu.memref_slice %arg6[%dma_start3A_239, %dma_start3A_245] : memref<40x125xi32, #tpu.memory_space<vmem>> -> memref<1x125xi32, #tpu.memory_space<vmem>>
    %dma_start3A_247 = tpu.memref_squeeze %dma_start3A_246 : memref<1x125xi32, #tpu.memory_space<vmem>> -> memref<125xi32, #tpu.memory_space<vmem>>
    %dma_start3A_248 = arith.constant 0 : i32
    %dma_start3A_249 = arith.constant 0 : i32
    %dma_start3A_250 = tpu.memref_slice %arg2[%dma_start3A_248, %dma_start3A_249] : memref<10240x128xf32, #tpu.memory_space<hbm>> -> memref<10240x128xf32, #tpu.memory_space<hbm>>
    tpu.enqueue_indirect_dma source(%dma_start3A_250 : memref<10240x128xf32, #tpu.memory_space<hbm>>) target(%dma_start3A_244 : memref<125x128xf32, #tpu.memory_space<vmem>>) offsets(%dma_start3A_247 : memref<125xi32, #tpu.memory_space<vmem>>) semaphore(%arg10 : memref<!tpu.dma_semaphore, #tpu.memory_space<semaphore_mem>>)
    %scan3A_251 = arith.constant 0 : i32
    %scan3A_252 = arith.constant 20 : i32
    %scan3A_253 = arith.addi %scan3A_251, %scan3A_252 : i32
    %scan3A_254 = arith.constant 1 : i32
    scf.for %scan3A_278 = %scan3A_251 to %scan3A_253 step %scan3A_254  : i32 {
      %mul3A_279 = arith.constant 2 : i32
      %mul3A_280 = arith.muli %scan3A_278, %mul3A_279 : i32
      %add3A_281 = arith.constant 0 : i32
      %add3A_282 = arith.addi %mul3A_280, %add3A_281 : i32
      %add3A_283 = arith.constant 1 : i32
      %add3A_284 = arith.addi %add3A_282, %add3A_283 : i32
      %lt3A = arith.constant 40 : i32
      %lt3A_285 = arith.cmpi slt, %add3A_284, %lt3A : i32
      %convert_element_type3A = arith.extui %lt3A_285 : i1 to i32
      %cond3A = arith.constant 0 : i32
      %cond3A_286 = arith.cmpi ne, %convert_element_type3A, %cond3A : i32
      scf.if %cond3A_286 {
        %dma_start3A_321 = arith.constant 1 : i32
        %dma_start3A_322 = arith.constant 0 : i32
        %dma_start3A_323 = arith.constant 0 : i32
        %dma_start3A_324 = tpu.memref_slice %arg8[%dma_start3A_321, %dma_start3A_322, %dma_start3A_323] : memref<2x125x128xf32, #tpu.memory_space<vmem>> -> memref<1x125x128xf32, #tpu.memory_space<vmem>>
        %dma_start3A_325 = tpu.memref_squeeze %dma_start3A_324 : memref<1x125x128xf32, #tpu.memory_space<vmem>> -> memref<125x128xf32, #tpu.memory_space<vmem>>
        %dma_start3A_326 = arith.constant 0 : i32
        %dma_start3A_327 = tpu.memref_slice %arg6[%add3A_284, %dma_start3A_326] : memref<40x125xi32, #tpu.memory_space<vmem>> -> memref<1x125xi32, #tpu.memory_space<vmem>>
        %dma_start3A_328 = tpu.memref_squeeze %dma_start3A_327 : memref<1x125xi32, #tpu.memory_space<vmem>> -> memref<125xi32, #tpu.memory_space<vmem>>
        %dma_start3A_329 = arith.constant 0 : i32
        %dma_start3A_330 = arith.constant 0 : i32
        %dma_start3A_331 = tpu.memref_slice %arg2[%dma_start3A_329, %dma_start3A_330] : memref<10240x128xf32, #tpu.memory_space<hbm>> -> memref<10240x128xf32, #tpu.memory_space<hbm>>
        tpu.enqueue_indirect_dma source(%dma_start3A_331 : memref<10240x128xf32, #tpu.memory_space<hbm>>) target(%dma_start3A_325 : memref<125x128xf32, #tpu.memory_space<vmem>>) offsets(%dma_start3A_328 : memref<125xi32, #tpu.memory_space<vmem>>) semaphore(%arg11 : memref<!tpu.dma_semaphore, #tpu.memory_space<semaphore_mem>>)
      } else {
      }
      %dma_wait3A_287 = arith.constant 0 : i32
      %dma_wait3A_288 = arith.constant 0 : i32
      %dma_wait3A_289 = arith.constant 0 : i32
      %dma_wait3A_290 = tpu.memref_slice %arg8[%dma_wait3A_287, %dma_wait3A_288, %dma_wait3A_289] : memref<2x125x128xf32, #tpu.memory_space<vmem>> -> memref<1x125x128xf32, #tpu.memory_space<vmem>>
      %dma_wait3A_291 = tpu.memref_squeeze %dma_wait3A_290 : memref<1x125x128xf32, #tpu.memory_space<vmem>> -> memref<125x128xf32, #tpu.memory_space<vmem>>
      %dma_wait3A_292 = arith.constant 0 : i32
      %dma_wait3A_293 = tpu.memref_slice %arg6[%add3A_282, %dma_wait3A_292] : memref<40x125xi32, #tpu.memory_space<vmem>> -> memref<1x125xi32, #tpu.memory_space<vmem>>
      %dma_wait3A_294 = tpu.memref_squeeze %dma_wait3A_293 : memref<1x125xi32, #tpu.memory_space<vmem>> -> memref<125xi32, #tpu.memory_space<vmem>>
      %dma_wait3A_295 = arith.constant 0 : i32
      %dma_wait3A_296 = arith.constant 0 : i32
      %dma_wait3A_297 = tpu.memref_slice %arg2[%dma_wait3A_295, %dma_wait3A_296] : memref<10240x128xf32, #tpu.memory_space<hbm>> -> memref<10240x128xf32, #tpu.memory_space<hbm>>
      tpu.wait_indirect_dma semaphore(%arg10 : memref<!tpu.dma_semaphore, #tpu.memory_space<semaphore_mem>>) src(%dma_wait3A_297 : memref<10240x128xf32, #tpu.memory_space<hbm>>) dst(%dma_wait3A_291 : memref<125x128xf32, #tpu.memory_space<vmem>>)
      %run_scoped3A = arith.constant 0 : i32
      "tpu.region"() ({
        %run_scoped3A_321 = tpu.sem_alloc : memref<!tpu.dma_semaphore, #tpu.memory_space<semaphore_mem>>
        %dma_start3A_322 = arith.constant 0 : i32
        %dma_start3A_323 = arith.constant 0 : i32
        %dma_start3A_324 = tpu.memref_slice %arg8[%run_scoped3A, %dma_start3A_322, %dma_start3A_323] : memref<2x125x128xf32, #tpu.memory_space<vmem>> -> memref<1x125x128xf32, #tpu.memory_space<vmem>>
        %dma_start3A_325 = tpu.memref_squeeze %dma_start3A_324 : memref<1x125x128xf32, #tpu.memory_space<vmem>> -> memref<125x128xf32, #tpu.memory_space<vmem>>
        %dma_start3A_326 = arith.constant 0 : i32
        %dma_start3A_327 = tpu.memref_slice %arg7[%add3A_282, %dma_start3A_326] : memref<40x125xi32, #tpu.memory_space<vmem>> -> memref<1x125xi32, #tpu.memory_space<vmem>>
        %dma_start3A_328 = tpu.memref_squeeze %dma_start3A_327 : memref<1x125xi32, #tpu.memory_space<vmem>> -> memref<125xi32, #tpu.memory_space<vmem>>
        %dma_start3A_329 = arith.constant 0 : i32
        %dma_start3A_330 = arith.constant 0 : i32
        %dma_start3A_331 = tpu.memref_slice %arg9[%dma_start3A_329, %dma_start3A_330] : memref<10240x128xf32, #tpu.memory_space<vmem_shared>> -> memref<10240x128xf32, #tpu.memory_space<vmem_shared>>
        tpu.enqueue_indirect_dma source(%dma_start3A_325 : memref<125x128xf32, #tpu.memory_space<vmem>>) target(%dma_start3A_331 : memref<10240x128xf32, #tpu.memory_space<vmem_shared>>) offsets(%dma_start3A_328 : memref<125xi32, #tpu.memory_space<vmem>>) semaphore(%run_scoped3A_321 : memref<!tpu.dma_semaphore, #tpu.memory_space<semaphore_mem>>) {add = true}
        %dma_wait3A_332 = arith.constant 0 : i32
        %dma_wait3A_333 = arith.constant 0 : i32
        %dma_wait3A_334 = tpu.memref_slice %arg8[%run_scoped3A, %dma_wait3A_332, %dma_wait3A_333] : memref<2x125x128xf32, #tpu.memory_space<vmem>> -> memref<1x125x128xf32, #tpu.memory_space<vmem>>
        %dma_wait3A_335 = tpu.memref_squeeze %dma_wait3A_334 : memref<1x125x128xf32, #tpu.memory_space<vmem>> -> memref<125x128xf32, #tpu.memory_space<vmem>>
        %dma_wait3A_336 = arith.constant 0 : i32
        %dma_wait3A_337 = tpu.memref_slice %arg7[%add3A_282, %dma_wait3A_336] : memref<40x125xi32, #tpu.memory_space<vmem>> -> memref<1x125xi32, #tpu.memory_space<vmem>>
        %dma_wait3A_338 = tpu.memref_squeeze %dma_wait3A_337 : memref<1x125xi32, #tpu.memory_space<vmem>> -> memref<125xi32, #tpu.memory_space<vmem>>
        %dma_wait3A_339 = arith.constant 0 : i32
        %dma_wait3A_340 = arith.constant 0 : i32
        %dma_wait3A_341 = tpu.memref_slice %arg9[%dma_wait3A_339, %dma_wait3A_340] : memref<10240x128xf32, #tpu.memory_space<vmem_shared>> -> memref<10240x128xf32, #tpu.memory_space<vmem_shared>>
        tpu.wait_indirect_dma semaphore(%run_scoped3A_321 : memref<!tpu.dma_semaphore, #tpu.memory_space<semaphore_mem>>) src(%dma_wait3A_335 : memref<125x128xf32, #tpu.memory_space<vmem>>) dst(%dma_wait3A_341 : memref<10240x128xf32, #tpu.memory_space<vmem_shared>>)
        tpu.yield
      }) : () -> ()
      %mul3A_298 = arith.constant 2 : i32
      %mul3A_299 = arith.muli %scan3A_278, %mul3A_298 : i32
      %add3A_300 = arith.constant 1 : i32
      %add3A_301 = arith.addi %mul3A_299, %add3A_300 : i32
      %add3A_302 = arith.constant 1 : i32
      %add3A_303 = arith.addi %add3A_301, %add3A_302 : i32
      %lt3A_304 = arith.constant 40 : i32
      %lt3A_305 = arith.cmpi slt, %add3A_303, %lt3A_304 : i32
      %convert_element_type3A_306 = arith.extui %lt3A_305 : i1 to i32
      %cond3A_307 = arith.constant 0 : i32
      %cond3A_308 = arith.cmpi ne, %convert_element_type3A_306, %cond3A_307 : i32
      scf.if %cond3A_308 {
        %dma_start3A_321 = arith.constant 0 : i32
        %dma_start3A_322 = arith.constant 0 : i32
        %dma_start3A_323 = arith.constant 0 : i32
        %dma_start3A_324 = tpu.memref_slice %arg8[%dma_start3A_321, %dma_start3A_322, %dma_start3A_323] : memref<2x125x128xf32, #tpu.memory_space<vmem>> -> memref<1x125x128xf32, #tpu.memory_space<vmem>>
        %dma_start3A_325 = tpu.memref_squeeze %dma_start3A_324 : memref<1x125x128xf32, #tpu.memory_space<vmem>> -> memref<125x128xf32, #tpu.memory_space<vmem>>
        %dma_start3A_326 = arith.constant 0 : i32
        %dma_start3A_327 = tpu.memref_slice %arg6[%add3A_303, %dma_start3A_326] : memref<40x125xi32, #tpu.memory_space<vmem>> -> memref<1x125xi32, #tpu.memory_space<vmem>>
        %dma_start3A_328 = tpu.memref_squeeze %dma_start3A_327 : memref<1x125xi32, #tpu.memory_space<vmem>> -> memref<125xi32, #tpu.memory_space<vmem>>
        %dma_start3A_329 = arith.constant 0 : i32
        %dma_start3A_330 = arith.constant 0 : i32
        %dma_start3A_331 = tpu.memref_slice %arg2[%dma_start3A_329, %dma_start3A_330] : memref<10240x128xf32, #tpu.memory_space<hbm>> -> memref<10240x128xf32, #tpu.memory_space<hbm>>
        tpu.enqueue_indirect_dma source(%dma_start3A_331 : memref<10240x128xf32, #tpu.memory_space<hbm>>) target(%dma_start3A_325 : memref<125x128xf32, #tpu.memory_space<vmem>>) offsets(%dma_start3A_328 : memref<125xi32, #tpu.memory_space<vmem>>) semaphore(%arg10 : memref<!tpu.dma_semaphore, #tpu.memory_space<semaphore_mem>>)
      } else {
      }
      %dma_wait3A_309 = arith.constant 1 : i32
      %dma_wait3A_310 = arith.constant 0 : i32
      %dma_wait3A_311 = arith.constant 0 : i32
      %dma_wait3A_312 = tpu.memref_slice %arg8[%dma_wait3A_309, %dma_wait3A_310, %dma_wait3A_311] : memref<2x125x128xf32, #tpu.memory_space<vmem>> -> memref<1x125x128xf32, #tpu.memory_space<vmem>>
      %dma_wait3A_313 = tpu.memref_squeeze %dma_wait3A_312 : memref<1x125x128xf32, #tpu.memory_space<vmem>> -> memref<125x128xf32, #tpu.memory_space<vmem>>
      %dma_wait3A_314 = arith.constant 0 : i32
      %dma_wait3A_315 = tpu.memref_slice %arg6[%add3A_301, %dma_wait3A_314] : memref<40x125xi32, #tpu.memory_space<vmem>> -> memref<1x125xi32, #tpu.memory_space<vmem>>
      %dma_wait3A_316 = tpu.memref_squeeze %dma_wait3A_315 : memref<1x125xi32, #tpu.memory_space<vmem>> -> memref<125xi32, #tpu.memory_space<vmem>>
      %dma_wait3A_317 = arith.constant 0 : i32
      %dma_wait3A_318 = arith.constant 0 : i32
      %dma_wait3A_319 = tpu.memref_slice %arg2[%dma_wait3A_317, %dma_wait3A_318] : memref<10240x128xf32, #tpu.memory_space<hbm>> -> memref<10240x128xf32, #tpu.memory_space<hbm>>
      tpu.wait_indirect_dma semaphore(%arg11 : memref<!tpu.dma_semaphore, #tpu.memory_space<semaphore_mem>>) src(%dma_wait3A_319 : memref<10240x128xf32, #tpu.memory_space<hbm>>) dst(%dma_wait3A_313 : memref<125x128xf32, #tpu.memory_space<vmem>>)
      %run_scoped3A_320 = arith.constant 1 : i32
      "tpu.region"() ({
        %run_scoped3A_321 = tpu.sem_alloc : memref<!tpu.dma_semaphore, #tpu.memory_space<semaphore_mem>>
        %dma_start3A_322 = arith.constant 0 : i32
        %dma_start3A_323 = arith.constant 0 : i32
        %dma_start3A_324 = tpu.memref_slice %arg8[%run_scoped3A_320, %dma_start3A_322, %dma_start3A_323] : memref<2x125x128xf32, #tpu.memory_space<vmem>> -> memref<1x125x128xf32, #tpu.memory_space<vmem>>
        %dma_start3A_325 = tpu.memref_squeeze %dma_start3A_324 : memref<1x125x128xf32, #tpu.memory_space<vmem>> -> memref<125x128xf32, #tpu.memory_space<vmem>>
        %dma_start3A_326 = arith.constant 0 : i32
        %dma_start3A_327 = tpu.memref_slice %arg7[%add3A_301, %dma_start3A_326] : memref<40x125xi32, #tpu.memory_space<vmem>> -> memref<1x125xi32, #tpu.memory_space<vmem>>
        %dma_start3A_328 = tpu.memref_squeeze %dma_start3A_327 : memref<1x125xi32, #tpu.memory_space<vmem>> -> memref<125xi32, #tpu.memory_space<vmem>>
        %dma_start3A_329 = arith.constant 0 : i32
        %dma_start3A_330 = arith.constant 0 : i32
        %dma_start3A_331 = tpu.memref_slice %arg9[%dma_start3A_329, %dma_start3A_330] : memref<10240x128xf32, #tpu.memory_space<vmem_shared>> -> memref<10240x128xf32, #tpu.memory_space<vmem_shared>>
        tpu.enqueue_indirect_dma source(%dma_start3A_325 : memref<125x128xf32, #tpu.memory_space<vmem>>) target(%dma_start3A_331 : memref<10240x128xf32, #tpu.memory_space<vmem_shared>>) offsets(%dma_start3A_328 : memref<125xi32, #tpu.memory_space<vmem>>) semaphore(%run_scoped3A_321 : memref<!tpu.dma_semaphore, #tpu.memory_space<semaphore_mem>>) {add = true}
        %dma_wait3A_332 = arith.constant 0 : i32
        %dma_wait3A_333 = arith.constant 0 : i32
        %dma_wait3A_334 = tpu.memref_slice %arg8[%run_scoped3A_320, %dma_wait3A_332, %dma_wait3A_333] : memref<2x125x128xf32, #tpu.memory_space<vmem>> -> memref<1x125x128xf32, #tpu.memory_space<vmem>>
        %dma_wait3A_335 = tpu.memref_squeeze %dma_wait3A_334 : memref<1x125x128xf32, #tpu.memory_space<vmem>> -> memref<125x128xf32, #tpu.memory_space<vmem>>
        %dma_wait3A_336 = arith.constant 0 : i32
        %dma_wait3A_337 = tpu.memref_slice %arg7[%add3A_301, %dma_wait3A_336] : memref<40x125xi32, #tpu.memory_space<vmem>> -> memref<1x125xi32, #tpu.memory_space<vmem>>
        %dma_wait3A_338 = tpu.memref_squeeze %dma_wait3A_337 : memref<1x125xi32, #tpu.memory_space<vmem>> -> memref<125xi32, #tpu.memory_space<vmem>>
        %dma_wait3A_339 = arith.constant 0 : i32
        %dma_wait3A_340 = arith.constant 0 : i32
        %dma_wait3A_341 = tpu.memref_slice %arg9[%dma_wait3A_339, %dma_wait3A_340] : memref<10240x128xf32, #tpu.memory_space<vmem_shared>> -> memref<10240x128xf32, #tpu.memory_space<vmem_shared>>
        tpu.wait_indirect_dma semaphore(%run_scoped3A_321 : memref<!tpu.dma_semaphore, #tpu.memory_space<semaphore_mem>>) src(%dma_wait3A_335 : memref<125x128xf32, #tpu.memory_space<vmem>>) dst(%dma_wait3A_341 : memref<10240x128xf32, #tpu.memory_space<vmem_shared>>)
        tpu.yield
      }) : () -> ()
    }
    %scan3A_255 = arith.constant 20 : i32
    "tpu.region"() ({
      %run_scoped3A = tpu.sem_alloc : memref<!tpu.dma_semaphore, #tpu.memory_space<semaphore_mem>>
      %dma_start3A_278 = arith.constant 40 : i32
      %dma_start3A_279 = arith.constant 0 : i32
      %dma_start3A_280 = tpu.memref_slice %arg3[%add3A, %dma_start3A_278, %dma_start3A_279] : memref<32x80x125xi32, #tpu.memory_space<hbm>> -> memref<1x40x125xi32, #tpu.memory_space<hbm>>
      %dma_start3A_281 = tpu.memref_squeeze %dma_start3A_280 : memref<1x40x125xi32, #tpu.memory_space<hbm>> -> memref<40x125xi32, #tpu.memory_space<hbm>>
      %dma_start3A_282 = arith.constant 40 : i32
      %dma_start3A_283 = arith.constant 0 : i32
      %dma_start3A_284 = tpu.memref_slice %arg3[%add3A, %dma_start3A_282, %dma_start3A_283] : memref<32x80x125xi32, #tpu.memory_space<hbm>> -> memref<1x40x125xi32, #tpu.memory_space<hbm>>
      %dma_start3A_285 = tpu.memref_squeeze %dma_start3A_284 : memref<1x40x125xi32, #tpu.memory_space<hbm>> -> memref<40x125xi32, #tpu.memory_space<hbm>>
      tpu.enqueue_dma source(%dma_start3A_285 : memref<40x125xi32, #tpu.memory_space<hbm>>) target(%arg6 : memref<40x125xi32, #tpu.memory_space<vmem>>) target_semaphore(%run_scoped3A : memref<!tpu.dma_semaphore, #tpu.memory_space<semaphore_mem>>)
      %dma_wait3A_286 = arith.constant 40 : i32
      %dma_wait3A_287 = arith.constant 0 : i32
      %dma_wait3A_288 = tpu.memref_slice %arg3[%add3A, %dma_wait3A_286, %dma_wait3A_287] : memref<32x80x125xi32, #tpu.memory_space<hbm>> -> memref<1x40x125xi32, #tpu.memory_space<hbm>>
      %dma_wait3A_289 = tpu.memref_squeeze %dma_wait3A_288 : memref<1x40x125xi32, #tpu.memory_space<hbm>> -> memref<40x125xi32, #tpu.memory_space<hbm>>
      %dma_wait3A_290 = arith.constant 40 : i32
      %dma_wait3A_291 = arith.constant 0 : i32
      %dma_wait3A_292 = tpu.memref_slice %arg3[%add3A, %dma_wait3A_290, %dma_wait3A_291] : memref<32x80x125xi32, #tpu.memory_space<hbm>> -> memref<1x40x125xi32, #tpu.memory_space<hbm>>
      %dma_wait3A_293 = tpu.memref_squeeze %dma_wait3A_292 : memref<1x40x125xi32, #tpu.memory_space<hbm>> -> memref<40x125xi32, #tpu.memory_space<hbm>>
      tpu.wait_dma2 semaphore(%run_scoped3A : memref<!tpu.dma_semaphore, #tpu.memory_space<semaphore_mem>>) src(%dma_wait3A_293 : memref<40x125xi32, #tpu.memory_space<hbm>>) dst(%arg6 : memref<40x125xi32, #tpu.memory_space<vmem>>)
      tpu.yield
    }) : () -> ()
    "tpu.region"() ({
      %run_scoped3A = tpu.sem_alloc : memref<!tpu.dma_semaphore, #tpu.memory_space<semaphore_mem>>
      %dma_start3A_278 = arith.constant 40 : i32
      %dma_start3A_279 = arith.constant 0 : i32
      %dma_start3A_280 = tpu.memref_slice %arg4[%add3A, %dma_start3A_278, %dma_start3A_279] : memref<32x80x125xi32, #tpu.memory_space<hbm>> -> memref<1x40x125xi32, #tpu.memory_space<hbm>>
      %dma_start3A_281 = tpu.memref_squeeze %dma_start3A_280 : memref<1x40x125xi32, #tpu.memory_space<hbm>> -> memref<40x125xi32, #tpu.memory_space<hbm>>
      %dma_start3A_282 = arith.constant 40 : i32
      %dma_start3A_283 = arith.constant 0 : i32
      %dma_start3A_284 = tpu.memref_slice %arg4[%add3A, %dma_start3A_282, %dma_start3A_283] : memref<32x80x125xi32, #tpu.memory_space<hbm>> -> memref<1x40x125xi32, #tpu.memory_space<hbm>>
      %dma_start3A_285 = tpu.memref_squeeze %dma_start3A_284 : memref<1x40x125xi32, #tpu.memory_space<hbm>> -> memref<40x125xi32, #tpu.memory_space<hbm>>
      tpu.enqueue_dma source(%dma_start3A_285 : memref<40x125xi32, #tpu.memory_space<hbm>>) target(%arg7 : memref<40x125xi32, #tpu.memory_space<vmem>>) target_semaphore(%run_scoped3A : memref<!tpu.dma_semaphore, #tpu.memory_space<semaphore_mem>>)
      %dma_wait3A_286 = arith.constant 40 : i32
      %dma_wait3A_287 = arith.constant 0 : i32
      %dma_wait3A_288 = tpu.memref_slice %arg4[%add3A, %dma_wait3A_286, %dma_wait3A_287] : memref<32x80x125xi32, #tpu.memory_space<hbm>> -> memref<1x40x125xi32, #tpu.memory_space<hbm>>
      %dma_wait3A_289 = tpu.memref_squeeze %dma_wait3A_288 : memref<1x40x125xi32, #tpu.memory_space<hbm>> -> memref<40x125xi32, #tpu.memory_space<hbm>>
      %dma_wait3A_290 = arith.constant 40 : i32
      %dma_wait3A_291 = arith.constant 0 : i32
      %dma_wait3A_292 = tpu.memref_slice %arg4[%add3A, %dma_wait3A_290, %dma_wait3A_291] : memref<32x80x125xi32, #tpu.memory_space<hbm>> -> memref<1x40x125xi32, #tpu.memory_space<hbm>>
      %dma_wait3A_293 = tpu.memref_squeeze %dma_wait3A_292 : memref<1x40x125xi32, #tpu.memory_space<hbm>> -> memref<40x125xi32, #tpu.memory_space<hbm>>
      tpu.wait_dma2 semaphore(%run_scoped3A : memref<!tpu.dma_semaphore, #tpu.memory_space<semaphore_mem>>) src(%dma_wait3A_293 : memref<40x125xi32, #tpu.memory_space<hbm>>) dst(%arg7 : memref<40x125xi32, #tpu.memory_space<vmem>>)
      tpu.yield
    }) : () -> ()
    %dma_start3A_256 = arith.constant 0 : i32
    %dma_start3A_257 = arith.constant 0 : i32
    %dma_start3A_258 = arith.constant 0 : i32
    %dma_start3A_259 = arith.constant 0 : i32
    %dma_start3A_260 = tpu.memref_slice %arg8[%dma_start3A_257, %dma_start3A_258, %dma_start3A_259] : memref<2x125x128xf32, #tpu.memory_space<vmem>> -> memref<1x125x128xf32, #tpu.memory_space<vmem>>
    %dma_start3A_261 = tpu.memref_squeeze %dma_start3A_260 : memref<1x125x128xf32, #tpu.memory_space<vmem>> -> memref<125x128xf32, #tpu.memory_space<vmem>>
    %dma_start3A_262 = arith.constant 0 : i32
    %dma_start3A_263 = tpu.memref_slice %arg6[%dma_start3A_256, %dma_start3A_262] : memref<40x125xi32, #tpu.memory_space<vmem>> -> memref<1x125xi32, #tpu.memory_space<vmem>>
    %dma_start3A_264 = tpu.memref_squeeze %dma_start3A_263 : memref<1x125xi32, #tpu.memory_space<vmem>> -> memref<125xi32, #tpu.memory_space<vmem>>
    %dma_start3A_265 = arith.constant 0 : i32
    %dma_start3A_266 = arith.constant 0 : i32
    %dma_start3A_267 = tpu.memref_slice %arg2[%dma_start3A_265, %dma_start3A_266] : memref<10240x128xf32, #tpu.memory_space<hbm>> -> memref<10240x128xf32, #tpu.memory_space<hbm>>
    tpu.enqueue_indirect_dma source(%dma_start3A_267 : memref<10240x128xf32, #tpu.memory_space<hbm>>) target(%dma_start3A_261 : memref<125x128xf32, #tpu.memory_space<vmem>>) offsets(%dma_start3A_264 : memref<125xi32, #tpu.memory_space<vmem>>) semaphore(%arg10 : memref<!tpu.dma_semaphore, #tpu.memory_space<semaphore_mem>>)
    %scan3A_268 = arith.constant 0 : i32
    %scan3A_269 = arith.constant 20 : i32
    %scan3A_270 = arith.addi %scan3A_268, %scan3A_269 : i32
    %scan3A_271 = arith.constant 1 : i32
    scf.for %scan3A_278 = %scan3A_268 to %scan3A_270 step %scan3A_271  : i32 {
      %mul3A_279 = arith.constant 2 : i32
      %mul3A_280 = arith.muli %scan3A_278, %mul3A_279 : i32
      %add3A_281 = arith.constant 0 : i32
      %add3A_282 = arith.addi %mul3A_280, %add3A_281 : i32
      %add3A_283 = arith.constant 1 : i32
      %add3A_284 = arith.addi %add3A_282, %add3A_283 : i32
      %lt3A = arith.constant 40 : i32
      %lt3A_285 = arith.cmpi slt, %add3A_284, %lt3A : i32
      %convert_element_type3A = arith.extui %lt3A_285 : i1 to i32
      %cond3A = arith.constant 0 : i32
      %cond3A_286 = arith.cmpi ne, %convert_element_type3A, %cond3A : i32
      scf.if %cond3A_286 {
        %dma_start3A_321 = arith.constant 1 : i32
        %dma_start3A_322 = arith.constant 0 : i32
        %dma_start3A_323 = arith.constant 0 : i32
        %dma_start3A_324 = tpu.memref_slice %arg8[%dma_start3A_321, %dma_start3A_322, %dma_start3A_323] : memref<2x125x128xf32, #tpu.memory_space<vmem>> -> memref<1x125x128xf32, #tpu.memory_space<vmem>>
        %dma_start3A_325 = tpu.memref_squeeze %dma_start3A_324 : memref<1x125x128xf32, #tpu.memory_space<vmem>> -> memref<125x128xf32, #tpu.memory_space<vmem>>
        %dma_start3A_326 = arith.constant 0 : i32
        %dma_start3A_327 = tpu.memref_slice %arg6[%add3A_284, %dma_start3A_326] : memref<40x125xi32, #tpu.memory_space<vmem>> -> memref<1x125xi32, #tpu.memory_space<vmem>>
        %dma_start3A_328 = tpu.memref_squeeze %dma_start3A_327 : memref<1x125xi32, #tpu.memory_space<vmem>> -> memref<125xi32, #tpu.memory_space<vmem>>
        %dma_start3A_329 = arith.constant 0 : i32
        %dma_start3A_330 = arith.constant 0 : i32
        %dma_start3A_331 = tpu.memref_slice %arg2[%dma_start3A_329, %dma_start3A_330] : memref<10240x128xf32, #tpu.memory_space<hbm>> -> memref<10240x128xf32, #tpu.memory_space<hbm>>
        tpu.enqueue_indirect_dma source(%dma_start3A_331 : memref<10240x128xf32, #tpu.memory_space<hbm>>) target(%dma_start3A_325 : memref<125x128xf32, #tpu.memory_space<vmem>>) offsets(%dma_start3A_328 : memref<125xi32, #tpu.memory_space<vmem>>) semaphore(%arg11 : memref<!tpu.dma_semaphore, #tpu.memory_space<semaphore_mem>>)
      } else {
      }
      %dma_wait3A_287 = arith.constant 0 : i32
      %dma_wait3A_288 = arith.constant 0 : i32
      %dma_wait3A_289 = arith.constant 0 : i32
      %dma_wait3A_290 = tpu.memref_slice %arg8[%dma_wait3A_287, %dma_wait3A_288, %dma_wait3A_289] : memref<2x125x128xf32, #tpu.memory_space<vmem>> -> memref<1x125x128xf32, #tpu.memory_space<vmem>>
      %dma_wait3A_291 = tpu.memref_squeeze %dma_wait3A_290 : memref<1x125x128xf32, #tpu.memory_space<vmem>> -> memref<125x128xf32, #tpu.memory_space<vmem>>
      %dma_wait3A_292 = arith.constant 0 : i32
      %dma_wait3A_293 = tpu.memref_slice %arg6[%add3A_282, %dma_wait3A_292] : memref<40x125xi32, #tpu.memory_space<vmem>> -> memref<1x125xi32, #tpu.memory_space<vmem>>
      %dma_wait3A_294 = tpu.memref_squeeze %dma_wait3A_293 : memref<1x125xi32, #tpu.memory_space<vmem>> -> memref<125xi32, #tpu.memory_space<vmem>>
      %dma_wait3A_295 = arith.constant 0 : i32
      %dma_wait3A_296 = arith.constant 0 : i32
      %dma_wait3A_297 = tpu.memref_slice %arg2[%dma_wait3A_295, %dma_wait3A_296] : memref<10240x128xf32, #tpu.memory_space<hbm>> -> memref<10240x128xf32, #tpu.memory_space<hbm>>
      tpu.wait_indirect_dma semaphore(%arg10 : memref<!tpu.dma_semaphore, #tpu.memory_space<semaphore_mem>>) src(%dma_wait3A_297 : memref<10240x128xf32, #tpu.memory_space<hbm>>) dst(%dma_wait3A_291 : memref<125x128xf32, #tpu.memory_space<vmem>>)
      %run_scoped3A = arith.constant 0 : i32
      "tpu.region"() ({
        %run_scoped3A_321 = tpu.sem_alloc : memref<!tpu.dma_semaphore, #tpu.memory_space<semaphore_mem>>
        %dma_start3A_322 = arith.constant 0 : i32
        %dma_start3A_323 = arith.constant 0 : i32
        %dma_start3A_324 = tpu.memref_slice %arg8[%run_scoped3A, %dma_start3A_322, %dma_start3A_323] : memref<2x125x128xf32, #tpu.memory_space<vmem>> -> memref<1x125x128xf32, #tpu.memory_space<vmem>>
        %dma_start3A_325 = tpu.memref_squeeze %dma_start3A_324 : memref<1x125x128xf32, #tpu.memory_space<vmem>> -> memref<125x128xf32, #tpu.memory_space<vmem>>
        %dma_start3A_326 = arith.constant 0 : i32
        %dma_start3A_327 = tpu.memref_slice %arg7[%add3A_282, %dma_start3A_326] : memref<40x125xi32, #tpu.memory_space<vmem>> -> memref<1x125xi32, #tpu.memory_space<vmem>>
        %dma_start3A_328 = tpu.memref_squeeze %dma_start3A_327 : memref<1x125xi32, #tpu.memory_space<vmem>> -> memref<125xi32, #tpu.memory_space<vmem>>
        %dma_start3A_329 = arith.constant 0 : i32
        %dma_start3A_330 = arith.constant 0 : i32
        %dma_start3A_331 = tpu.memref_slice %arg9[%dma_start3A_329, %dma_start3A_330] : memref<10240x128xf32, #tpu.memory_space<vmem_shared>> -> memref<10240x128xf32, #tpu.memory_space<vmem_shared>>
        tpu.enqueue_indirect_dma source(%dma_start3A_325 : memref<125x128xf32, #tpu.memory_space<vmem>>) target(%dma_start3A_331 : memref<10240x128xf32, #tpu.memory_space<vmem_shared>>) offsets(%dma_start3A_328 : memref<125xi32, #tpu.memory_space<vmem>>) semaphore(%run_scoped3A_321 : memref<!tpu.dma_semaphore, #tpu.memory_space<semaphore_mem>>) {add = true}
        %dma_wait3A_332 = arith.constant 0 : i32
        %dma_wait3A_333 = arith.constant 0 : i32
        %dma_wait3A_334 = tpu.memref_slice %arg8[%run_scoped3A, %dma_wait3A_332, %dma_wait3A_333] : memref<2x125x128xf32, #tpu.memory_space<vmem>> -> memref<1x125x128xf32, #tpu.memory_space<vmem>>
        %dma_wait3A_335 = tpu.memref_squeeze %dma_wait3A_334 : memref<1x125x128xf32, #tpu.memory_space<vmem>> -> memref<125x128xf32, #tpu.memory_space<vmem>>
        %dma_wait3A_336 = arith.constant 0 : i32
        %dma_wait3A_337 = tpu.memref_slice %arg7[%add3A_282, %dma_wait3A_336] : memref<40x125xi32, #tpu.memory_space<vmem>> -> memref<1x125xi32, #tpu.memory_space<vmem>>
        %dma_wait3A_338 = tpu.memref_squeeze %dma_wait3A_337 : memref<1x125xi32, #tpu.memory_space<vmem>> -> memref<125xi32, #tpu.memory_space<vmem>>
        %dma_wait3A_339 = arith.constant 0 : i32
        %dma_wait3A_340 = arith.constant 0 : i32
        %dma_wait3A_341 = tpu.memref_slice %arg9[%dma_wait3A_339, %dma_wait3A_340] : memref<10240x128xf32, #tpu.memory_space<vmem_shared>> -> memref<10240x128xf32, #tpu.memory_space<vmem_shared>>
        tpu.wait_indirect_dma semaphore(%run_scoped3A_321 : memref<!tpu.dma_semaphore, #tpu.memory_space<semaphore_mem>>) src(%dma_wait3A_335 : memref<125x128xf32, #tpu.memory_space<vmem>>) dst(%dma_wait3A_341 : memref<10240x128xf32, #tpu.memory_space<vmem_shared>>)
        tpu.yield
      }) : () -> ()
      %mul3A_298 = arith.constant 2 : i32
      %mul3A_299 = arith.muli %scan3A_278, %mul3A_298 : i32
      %add3A_300 = arith.constant 1 : i32
      %add3A_301 = arith.addi %mul3A_299, %add3A_300 : i32
      %add3A_302 = arith.constant 1 : i32
      %add3A_303 = arith.addi %add3A_301, %add3A_302 : i32
      %lt3A_304 = arith.constant 40 : i32
      %lt3A_305 = arith.cmpi slt, %add3A_303, %lt3A_304 : i32
      %convert_element_type3A_306 = arith.extui %lt3A_305 : i1 to i32
      %cond3A_307 = arith.constant 0 : i32
      %cond3A_308 = arith.cmpi ne, %convert_element_type3A_306, %cond3A_307 : i32
      scf.if %cond3A_308 {
        %dma_start3A_321 = arith.constant 0 : i32
        %dma_start3A_322 = arith.constant 0 : i32
        %dma_start3A_323 = arith.constant 0 : i32
        %dma_start3A_324 = tpu.memref_slice %arg8[%dma_start3A_321, %dma_start3A_322, %dma_start3A_323] : memref<2x125x128xf32, #tpu.memory_space<vmem>> -> memref<1x125x128xf32, #tpu.memory_space<vmem>>
        %dma_start3A_325 = tpu.memref_squeeze %dma_start3A_324 : memref<1x125x128xf32, #tpu.memory_space<vmem>> -> memref<125x128xf32, #tpu.memory_space<vmem>>
        %dma_start3A_326 = arith.constant 0 : i32
        %dma_start3A_327 = tpu.memref_slice %arg6[%add3A_303, %dma_start3A_326] : memref<40x125xi32, #tpu.memory_space<vmem>> -> memref<1x125xi32, #tpu.memory_space<vmem>>
        %dma_start3A_328 = tpu.memref_squeeze %dma_start3A_327 : memref<1x125xi32, #tpu.memory_space<vmem>> -> memref<125xi32, #tpu.memory_space<vmem>>
        %dma_start3A_329 = arith.constant 0 : i32
        %dma_start3A_330 = arith.constant 0 : i32
        %dma_start3A_331 = tpu.memref_slice %arg2[%dma_start3A_329, %dma_start3A_330] : memref<10240x128xf32, #tpu.memory_space<hbm>> -> memref<10240x128xf32, #tpu.memory_space<hbm>>
        tpu.enqueue_indirect_dma source(%dma_start3A_331 : memref<10240x128xf32, #tpu.memory_space<hbm>>) target(%dma_start3A_325 : memref<125x128xf32, #tpu.memory_space<vmem>>) offsets(%dma_start3A_328 : memref<125xi32, #tpu.memory_space<vmem>>) semaphore(%arg10 : memref<!tpu.dma_semaphore, #tpu.memory_space<semaphore_mem>>)
      } else {
      }
      %dma_wait3A_309 = arith.constant 1 : i32
      %dma_wait3A_310 = arith.constant 0 : i32
      %dma_wait3A_311 = arith.constant 0 : i32
      %dma_wait3A_312 = tpu.memref_slice %arg8[%dma_wait3A_309, %dma_wait3A_310, %dma_wait3A_311] : memref<2x125x128xf32, #tpu.memory_space<vmem>> -> memref<1x125x128xf32, #tpu.memory_space<vmem>>
      %dma_wait3A_313 = tpu.memref_squeeze %dma_wait3A_312 : memref<1x125x128xf32, #tpu.memory_space<vmem>> -> memref<125x128xf32, #tpu.memory_space<vmem>>
      %dma_wait3A_314 = arith.constant 0 : i32
      %dma_wait3A_315 = tpu.memref_slice %arg6[%add3A_301, %dma_wait3A_314] : memref<40x125xi32, #tpu.memory_space<vmem>> -> memref<1x125xi32, #tpu.memory_space<vmem>>
      %dma_wait3A_316 = tpu.memref_squeeze %dma_wait3A_315 : memref<1x125xi32, #tpu.memory_space<vmem>> -> memref<125xi32, #tpu.memory_space<vmem>>
      %dma_wait3A_317 = arith.constant 0 : i32
      %dma_wait3A_318 = arith.constant 0 : i32
      %dma_wait3A_319 = tpu.memref_slice %arg2[%dma_wait3A_317, %dma_wait3A_318] : memref<10240x128xf32, #tpu.memory_space<hbm>> -> memref<10240x128xf32, #tpu.memory_space<hbm>>
      tpu.wait_indirect_dma semaphore(%arg11 : memref<!tpu.dma_semaphore, #tpu.memory_space<semaphore_mem>>) src(%dma_wait3A_319 : memref<10240x128xf32, #tpu.memory_space<hbm>>) dst(%dma_wait3A_313 : memref<125x128xf32, #tpu.memory_space<vmem>>)
      %run_scoped3A_320 = arith.constant 1 : i32
      "tpu.region"() ({
        %run_scoped3A_321 = tpu.sem_alloc : memref<!tpu.dma_semaphore, #tpu.memory_space<semaphore_mem>>
        %dma_start3A_322 = arith.constant 0 : i32
        %dma_start3A_323 = arith.constant 0 : i32
        %dma_start3A_324 = tpu.memref_slice %arg8[%run_scoped3A_320, %dma_start3A_322, %dma_start3A_323] : memref<2x125x128xf32, #tpu.memory_space<vmem>> -> memref<1x125x128xf32, #tpu.memory_space<vmem>>
        %dma_start3A_325 = tpu.memref_squeeze %dma_start3A_324 : memref<1x125x128xf32, #tpu.memory_space<vmem>> -> memref<125x128xf32, #tpu.memory_space<vmem>>
        %dma_start3A_326 = arith.constant 0 : i32
        %dma_start3A_327 = tpu.memref_slice %arg7[%add3A_301, %dma_start3A_326] : memref<40x125xi32, #tpu.memory_space<vmem>> -> memref<1x125xi32, #tpu.memory_space<vmem>>
        %dma_start3A_328 = tpu.memref_squeeze %dma_start3A_327 : memref<1x125xi32, #tpu.memory_space<vmem>> -> memref<125xi32, #tpu.memory_space<vmem>>
        %dma_start3A_329 = arith.constant 0 : i32
        %dma_start3A_330 = arith.constant 0 : i32
        %dma_start3A_331 = tpu.memref_slice %arg9[%dma_start3A_329, %dma_start3A_330] : memref<10240x128xf32, #tpu.memory_space<vmem_shared>> -> memref<10240x128xf32, #tpu.memory_space<vmem_shared>>
        tpu.enqueue_indirect_dma source(%dma_start3A_325 : memref<125x128xf32, #tpu.memory_space<vmem>>) target(%dma_start3A_331 : memref<10240x128xf32, #tpu.memory_space<vmem_shared>>) offsets(%dma_start3A_328 : memref<125xi32, #tpu.memory_space<vmem>>) semaphore(%run_scoped3A_321 : memref<!tpu.dma_semaphore, #tpu.memory_space<semaphore_mem>>) {add = true}
        %dma_wait3A_332 = arith.constant 0 : i32
        %dma_wait3A_333 = arith.constant 0 : i32
        %dma_wait3A_334 = tpu.memref_slice %arg8[%run_scoped3A_320, %dma_wait3A_332, %dma_wait3A_333] : memref<2x125x128xf32, #tpu.memory_space<vmem>> -> memref<1x125x128xf32, #tpu.memory_space<vmem>>
        %dma_wait3A_335 = tpu.memref_squeeze %dma_wait3A_334 : memref<1x125x128xf32, #tpu.memory_space<vmem>> -> memref<125x128xf32, #tpu.memory_space<vmem>>
        %dma_wait3A_336 = arith.constant 0 : i32
        %dma_wait3A_337 = tpu.memref_slice %arg7[%add3A_301, %dma_wait3A_336] : memref<40x125xi32, #tpu.memory_space<vmem>> -> memref<1x125xi32, #tpu.memory_space<vmem>>
        %dma_wait3A_338 = tpu.memref_squeeze %dma_wait3A_337 : memref<1x125xi32, #tpu.memory_space<vmem>> -> memref<125xi32, #tpu.memory_space<vmem>>
        %dma_wait3A_339 = arith.constant 0 : i32
        %dma_wait3A_340 = arith.constant 0 : i32
        %dma_wait3A_341 = tpu.memref_slice %arg9[%dma_wait3A_339, %dma_wait3A_340] : memref<10240x128xf32, #tpu.memory_space<vmem_shared>> -> memref<10240x128xf32, #tpu.memory_space<vmem_shared>>
        tpu.wait_indirect_dma semaphore(%run_scoped3A_321 : memref<!tpu.dma_semaphore, #tpu.memory_space<semaphore_mem>>) src(%dma_wait3A_335 : memref<125x128xf32, #tpu.memory_space<vmem>>) dst(%dma_wait3A_341 : memref<10240x128xf32, #tpu.memory_space<vmem_shared>>)
        tpu.yield
      }) : () -> ()
    }
    %scan3A_272 = arith.constant 20 : i32
    %barrier3A_273 = arith.constant 0 : index
    tpu.barrier barrier_id(%barrier3A_273)
    %mul3A_274 = arith.constant 640 : i32
    %mul3A_275 = arith.muli %arg1, %mul3A_274 : i32
    %mul3A_276 = arith.constant 640 : i32
    %mul3A_277 = arith.muli %arg1, %mul3A_276 : i32
    "tpu.region"() ({
      %run_scoped3A = tpu.sem_alloc : memref<!tpu.dma_semaphore, #tpu.memory_space<semaphore_mem>>
      %dma_start3A_278 = arith.constant 0 : i32
      %dma_start3A_279 = tpu.memref_slice %arg5[%arg0, %mul3A_277, %dma_start3A_278] : memref<2x10240x128xf32, #tpu.memory_space<hbm>> -> memref<1x640x128xf32, #tpu.memory_space<hbm>>
      %dma_start3A_280 = tpu.memref_squeeze %dma_start3A_279 : memref<1x640x128xf32, #tpu.memory_space<hbm>> -> memref<640x128xf32, #tpu.memory_space<hbm>>
      %dma_start3A_281 = arith.constant 0 : i32
      %dma_start3A_282 = tpu.memref_slice %arg9[%mul3A_275, %dma_start3A_281] : memref<10240x128xf32, #tpu.memory_space<vmem_shared>> -> memref<640x128xf32, #tpu.memory_space<vmem_shared>>
      tpu.enqueue_dma source(%dma_start3A_282 : memref<640x128xf32, #tpu.memory_space<vmem_shared>>) target(%dma_start3A_280 : memref<640x128xf32, #tpu.memory_space<hbm>>) target_semaphore(%run_scoped3A : memref<!tpu.dma_semaphore, #tpu.memory_space<semaphore_mem>>)
      %dma_wait3A_283 = arith.constant 0 : i32
      %dma_wait3A_284 = tpu.memref_slice %arg5[%arg0, %mul3A_277, %dma_wait3A_283] : memref<2x10240x128xf32, #tpu.memory_space<hbm>> -> memref<1x640x128xf32, #tpu.memory_space<hbm>>
      %dma_wait3A_285 = tpu.memref_squeeze %dma_wait3A_284 : memref<1x640x128xf32, #tpu.memory_space<hbm>> -> memref<640x128xf32, #tpu.memory_space<hbm>>
      %dma_wait3A_286 = arith.constant 0 : i32
      %dma_wait3A_287 = tpu.memref_slice %arg9[%mul3A_275, %dma_wait3A_286] : memref<10240x128xf32, #tpu.memory_space<vmem_shared>> -> memref<640x128xf32, #tpu.memory_space<vmem_shared>>
      tpu.wait_dma2 semaphore(%run_scoped3A : memref<!tpu.dma_semaphore, #tpu.memory_space<semaphore_mem>>) src(%dma_wait3A_287 : memref<640x128xf32, #tpu.memory_space<vmem_shared>>) dst(%dma_wait3A_285 : memref<640x128xf32, #tpu.memory_space<hbm>>)
      tpu.yield
    }) : () -> ()
    return
  }
}

module attributes {stable_mosaic.version = 14 : i64} {
  func.func @_tc_transform_body(%arg0: i32, %arg1: memref<1280x128xf32, #tpu.memory_space<vmem>>, %arg2: memref<128x128xf32, #tpu.memory_space<vmem>>, %arg3: memref<1x128xf32, #tpu.memory_space<vmem>>, %arg4: memref<2x1280xf32, #tpu.memory_space<vmem>>, %arg5: memref<1280x128xf32, #tpu.memory_space<vmem>>) attributes {dimension_semantics = [#tpu.dimension_semantics<arbitrary>], iteration_bounds = array<i64: 8>, scalar_prefetch = 0 : i64, scratch_operands = 0 : i64, tpu.core_type = #tpu.core_type<tc>, window_params = [{transform_indices = @transform_0, window_bounds = array<i64: 1280, 128>}, {pipeline_mode = #tpu.pipeline_mode<synchronous>, transform_indices = @transform_1, window_bounds = array<i64: 128, 128>}, {pipeline_mode = #tpu.pipeline_mode<synchronous>, transform_indices = @transform_2, window_bounds = array<i64: 1, 128>}, {transform_indices = @transform_3, window_bounds = array<i64: 2, 1280>}, {transform_indices = @transform_4, window_bounds = array<i64: 1280, 128>}]} {
    %get3A = arith.constant 0 : index
    %get3A_0 = arith.constant 0 : index
    %get3A_1 = vector.load %arg1[%get3A, %get3A_0] : memref<1280x128xf32, #tpu.memory_space<vmem>>, vector<1280x128xf32>
    %get3A_2 = arith.constant 0 : index
    %get3A_3 = arith.constant 0 : index
    %get3A_4 = vector.load %arg2[%get3A_2, %get3A_3] : memref<128x128xf32, #tpu.memory_space<vmem>>, vector<128x128xf32>
    %dot_general3A = arith.constant dense<0.000000e+00> : vector<1280x128xf32>
    %dot_general3A_5 = tpu.matmul %get3A_1, %get3A_4, %dot_general3A {dimension_numbers = #tpu.dot_dimension_numbers<[1], [0], [0], [1], [0, 0, 1, 1], [], []>, transpose_lhs_hint = false} : vector<1280x128xf32>, vector<128x128xf32>, vector<1280x128xf32> -> vector<1280x128xf32>
    %get3A_6 = arith.constant 0 : index
    %get3A_7 = arith.constant 0 : index
    %get3A_8 = vector.load %arg3[%get3A_6, %get3A_7] : memref<1x128xf32, #tpu.memory_space<vmem>>, vector<1x128xf32>
    %add3A = vector.broadcast %get3A_8 : vector<1x128xf32> to vector<1280x128xf32>
    %add3A_9 = arith.addf %dot_general3A_5, %add3A : vector<1280x128xf32>
    %get3A_10 = arith.constant 0 : index
    %get3A_11 = arith.constant 0 : index
    %get3A_12 = vector.load %arg4[%get3A_10, %get3A_11] : memref<2x1280xf32, #tpu.memory_space<vmem>>, vector<1x1280xf32>
    %get3A_13 = vector.shape_cast %get3A_12 : vector<1x1280xf32> to vector<1280xf32>
    %get3A_14 = arith.constant 1 : index
    %get3A_15 = arith.constant 0 : index
    %get3A_16 = vector.load %arg4[%get3A_14, %get3A_15] : memref<2x1280xf32, #tpu.memory_space<vmem>>, vector<1x1280xf32>
    %get3A_17 = vector.shape_cast %get3A_16 : vector<1x1280xf32> to vector<1280xf32>
    %add3A_18 = arith.addf %get3A_13, %get3A_17 : vector<1280xf32>
    %max3A = arith.constant 1.000000e+00 : f32
    %max3A_19 = vector.broadcast %max3A : f32 to vector<1280xf32>
    %max3A_20 = arith.maximumf %add3A_18, %max3A_19 : vector<1280xf32>
    %rsqrt3A = math.rsqrt %max3A_20 : vector<1280xf32>
    %broadcast_in_dim3A = vector.shape_cast %rsqrt3A : vector<1280xf32> to vector<1280x1xf32>
    %mul3A = vector.broadcast %broadcast_in_dim3A : vector<1280x1xf32> to vector<1280x128xf32>
    %mul3A_21 = arith.mulf %add3A_9, %mul3A : vector<1280x128xf32>
    %swap3A = arith.constant 0 : index
    %swap3A_22 = arith.constant 0 : index
    %swap3A_23 = vector.load %arg5[%swap3A, %swap3A_22] : memref<1280x128xf32, #tpu.memory_space<vmem>>, vector<1280x128xf32>
    tpu.vector_store %arg5[%swap3A, %swap3A_22], %mul3A_21 {strides = array<i32>} : memref<1280x128xf32, #tpu.memory_space<vmem>>, vector<1280x128xf32>,
    return
  }
  func.func @transform_0(%arg0: i32) -> (i32, i32) {
    %c0_i32 = arith.constant 0 : i32
    %c0_i32_0 = arith.constant 0 : i32
    return %arg0, %c0_i32 : i32, i32
  }
  func.func @transform_1(%arg0: i32) -> (i32, i32) {
    %c0_i32 = arith.constant 0 : i32
    %c0_i32_0 = arith.constant 0 : i32
    %c0_i32_1 = arith.constant 0 : i32
    return %c0_i32, %c0_i32_0 : i32, i32
  }
  func.func @transform_2(%arg0: i32) -> (i32, i32) {
    %c0_i32 = arith.constant 0 : i32
    %c0_i32_0 = arith.constant 0 : i32
    %c0_i32_1 = arith.constant 0 : i32
    return %c0_i32, %c0_i32_0 : i32, i32
  }
  func.func @transform_3(%arg0: i32) -> (i32, i32) {
    %c0_i32 = arith.constant 0 : i32
    %c0_i32_0 = arith.constant 0 : i32
    return %c0_i32, %arg0 : i32, i32
  }
  func.func @transform_4(%arg0: i32) -> (i32, i32) {
    %c0_i32 = arith.constant 0 : i32
    %c0_i32_0 = arith.constant 0 : i32
    return %arg0, %c0_i32 : i32, i32
  }
}

module attributes {stable_mosaic.version = 14 : i64} {
  func.func @_tc_finalize_body(%arg0: i32, %arg1: memref<2x1280x128xf32, #tpu.memory_space<vmem>>, %arg2: memref<2x1280xf32, #tpu.memory_space<vmem>>, %arg3: memref<1280x128xf32, #tpu.memory_space<vmem>>) attributes {dimension_semantics = [#tpu.dimension_semantics<arbitrary>], iteration_bounds = array<i64: 8>, scalar_prefetch = 0 : i64, scratch_operands = 0 : i64, tpu.core_type = #tpu.core_type<tc>, window_params = [{transform_indices = @transform_0, window_bounds = array<i64: 2, 1280, 128>}, {transform_indices = @transform_1, window_bounds = array<i64: 2, 1280>}, {transform_indices = @transform_2, window_bounds = array<i64: 1280, 128>}]} {
    %get3A = arith.constant 0 : index
    %get3A_0 = arith.constant 0 : index
    %get3A_1 = arith.constant 0 : index
    %get3A_2 = vector.load %arg1[%get3A, %get3A_0, %get3A_1] : memref<2x1280x128xf32, #tpu.memory_space<vmem>>, vector<1x1280x128xf32>
    %get3A_3 = vector.shape_cast %get3A_2 : vector<1x1280x128xf32> to vector<1280x128xf32>
    %get3A_4 = arith.constant 1 : index
    %get3A_5 = arith.constant 0 : index
    %get3A_6 = arith.constant 0 : index
    %get3A_7 = vector.load %arg1[%get3A_4, %get3A_5, %get3A_6] : memref<2x1280x128xf32, #tpu.memory_space<vmem>>, vector<1x1280x128xf32>
    %get3A_8 = vector.shape_cast %get3A_7 : vector<1x1280x128xf32> to vector<1280x128xf32>
    %add3A = arith.addf %get3A_3, %get3A_8 : vector<1280x128xf32>
    %get3A_9 = arith.constant 0 : index
    %get3A_10 = arith.constant 0 : index
    %get3A_11 = vector.load %arg2[%get3A_9, %get3A_10] : memref<2x1280xf32, #tpu.memory_space<vmem>>, vector<1x1280xf32>
    %get3A_12 = vector.shape_cast %get3A_11 : vector<1x1280xf32> to vector<1280xf32>
    %get3A_13 = arith.constant 1 : index
    %get3A_14 = arith.constant 0 : index
    %get3A_15 = vector.load %arg2[%get3A_13, %get3A_14] : memref<2x1280xf32, #tpu.memory_space<vmem>>, vector<1x1280xf32>
    %get3A_16 = vector.shape_cast %get3A_15 : vector<1x1280xf32> to vector<1280xf32>
    %add3A_17 = arith.addf %get3A_12, %get3A_16 : vector<1280xf32>
    %max3A = arith.constant 1.000000e+00 : f32
    %max3A_18 = vector.broadcast %max3A : f32 to vector<1280xf32>
    %max3A_19 = arith.maximumf %add3A_17, %max3A_18 : vector<1280xf32>
    %rsqrt3A = math.rsqrt %max3A_19 : vector<1280xf32>
    %broadcast_in_dim3A = vector.shape_cast %rsqrt3A : vector<1280xf32> to vector<1280x1xf32>
    %mul3A = vector.broadcast %broadcast_in_dim3A : vector<1280x1xf32> to vector<1280x128xf32>
    %mul3A_20 = arith.mulf %add3A, %mul3A : vector<1280x128xf32>
    %swap3A = arith.constant 0 : index
    %swap3A_21 = arith.constant 0 : index
    %swap3A_22 = vector.load %arg3[%swap3A, %swap3A_21] : memref<1280x128xf32, #tpu.memory_space<vmem>>, vector<1280x128xf32>
    tpu.vector_store %arg3[%swap3A, %swap3A_21], %mul3A_20 {strides = array<i32>} : memref<1280x128xf32, #tpu.memory_space<vmem>>, vector<1280x128xf32>,
    return
  }
  func.func @transform_0(%arg0: i32) -> (i32, i32, i32) {
    %c0_i32 = arith.constant 0 : i32
    %c0_i32_0 = arith.constant 0 : i32
    %c0_i32_1 = arith.constant 0 : i32
    return %c0_i32, %arg0, %c0_i32_0 : i32, i32, i32
  }
  func.func @transform_1(%arg0: i32) -> (i32, i32) {
    %c0_i32 = arith.constant 0 : i32
    %c0_i32_0 = arith.constant 0 : i32
    return %c0_i32, %arg0 : i32, i32
  }
  func.func @transform_2(%arg0: i32) -> (i32, i32) {
    %c0_i32 = arith.constant 0 : i32
    %c0_i32_0 = arith.constant 0 : i32
    return %arg0, %c0_i32 : i32, i32
  }
}

</mosaic_0001>

<sc_bundles>
// kernel: kernel.6.cloned.1.call-start
scs
__scs_entry_jumppad:
0x0: {  	(pc) =	sbr.rel $0x88, $3  }
0x1: {  	(tag) =	ssettag $0x0;
	lr =	simm.s32 $0x1  }
0x2: {  	[smem:$0x3F9C] =	sst lr;
	_ =	strace $0xD0000000  }
0x3: {  	_ = 	snop  }
0x4: {  	_ = 	snop  }
0x5: {  	_ = 	snop  }
0x6: {  	_ = 	snop  }
0x7: {  	_ = 	snop  }
__scs_overlays_trampoline_lowered:
0x8: {  	[smem:$0x3FAB] =	sst s0  }
0x9: {  	[smem:$0x3FAC] =	sst s1  }
0xa: {  	[smem:$0x3FAD] =	sst s2  }
0xb: {  	[smem:$0x3FAE] =	sst s3  }
0xc: {  	[smem:$0x3FAF] =	sst s4  }
0xd: {  	[smem:$0x3FB0] =	sst s5  }
0xe: {  	[smem:$0x3FB1] =	sst s6  }
0xf: {  	[smem:$0x3FB2] =	sst s7  }
0x10: {  	[smem:$0x3FB3] =	sst s8  }
0x11: {  	[smem:$0x3FB4] =	sst s9;
	s0 =	simm.s32 @!p0 $0x0  }
0x12: {  	s1 =	sld [smem:$0x3F9A];
	s0 =	simm.s32 @p0 $0x1  }
0x13: {  	[smem:$0x3FB5] =	sst s0;
	s0 =	simm.s32 @!p1 $0x0  }
0x14: {  	s2 =	sld [smem:$0x3F99];
	s0 =	simm.s32 @p1 $0x1  }
0x15: {  	[smem:$0x3FB6] =	sst s0;
	s0 =	simm.s32 @!p2 $0x0  }
0x16: {  	s3 =	sld [smem:$0x3FDB];
	s0 =	simm.s32 @p2 $0x1  }
0x17: {  	s4 =	simm.s32 $0x1BF5;
	[smem:$0x3FB8] =	sst s0  }
0x18: {  	s0 =	sld [smem:$0x3F9B];
	_ =	swait.ge [sflag:s4], $0x0  }
0x19: {  	s7 =	sld [smem:$0x3F9C]  }
0x1a: {  	s8 =	sadd.s32 $0xFFFFE003, lr  }
0x1b: {  	s9 =	sadd.s32 $0xFFFFFEF7, lr;
	s5 =	simm.s32 $0xFFFFFFFF;
	p2 =	slt.u32 s8, $0xFFFFF086  }
0x1c: {  	p1 =	slt.u32 s9, $0xF7A;
	s5 =	simm.s32 @!p2 $0x0  }
0x1d: {  	s5 =	simm.s32 @p1 $0x1;
	p0 =	seq.s32 s7, s2  }
0x1e: {  	s7 =	smul.u32 @!p0 $0xF7A, s2;
	p2 =	seq.s32 @!p0 s5, $0x0  }
0x1f: {  	s9 =	smul.u32 $0xF7A, s1;
	s8 =	simm.s32 @!p0 $0x1BF5;
	p2 =	por !p2, p0  }
0x20: {  	[sflag:s8] =	ssyncset.s32 @!p0 $0xFFFFF086;
	s6 =	sadd.s32 @!p0 s3, s7;
	s7 =	simm.s32 @!p0 $0x108  }
0x21: {  	s3 =	sadd.s32 s3, s9;
	s6 =	sadd.s32 @!p0 $0x88, s6;
	s7 =	simm.s32 @p2 $0x1082  }
0x22: {  	[simem:s7], [sflag:s8] =	dma.local @!p0 [hbm:s6], $0xF7A  }
0x23: {  	s9 =	sor.u32 $0xD0000000, s2;
	s6 =	simm.s32 $0x108;
	_ =	swait.ge @!p0 [sflag:s8], $0x0  }
0x24: {  	s3 =	sadd.s32 $0x88, s3;
	s6 =	simm.s32 @!p1 $0x1082;
	[sflag:s4] =	ssyncset.s32 $0xFFFFF086  }
0x25: {  	[simem:s6], [sflag:s4] =	dma.local [hbm:s3], $0xF7A  }
0x26: {  	[smem:$0x3F9C] =	sst s1;
	(tag) =	ssettag s2;
	_ =	strace s9  }
0x27: {  	s1 =	sld [smem:$0x3FAC]  }
0x28: {  	s2 =	sld [smem:$0x3FAD]  }
0x29: {  	s4 =	sld [smem:$0x3FAF]  }
0x2a: {  	p0 =	seq.s32 s5, $0x0;
	s5 =	sld [smem:$0x3FB0]  }
0x2b: {  	s6 =	sld [smem:$0x3FB1]  }
0x2c: {  	s7 =	sld [smem:$0x3FB2]  }
0x2d: {  	s3 =	simm.s32 $0x108;
	s8 =	sld [smem:$0x3FB3]  }
0x2e: {  	s3 =	simm.s32 @!p0 $0x1082;
	s9 =	sld [smem:$0x3FB4]  }
0x2f: {  	lr =	sadd.s32 s0, s3;
	s0 =	sld [smem:$0x3FAB]  }
0x30: {  	s3 =	sld [smem:$0x3FAE]  }
0x31: {  	[smem:$0x3FB7] =	sst s10  }
0x32: {  	s10 =	sld [smem:$0x3FB5];
	_ =	sdelay $0x3  }
0x33: {  	p0 =	seq.s32 s10, $0x1;
	s10 =	sld [smem:$0x3FB7];
	_ =	sdelay $0x3  }
0x34: {  	[smem:$0x3FB7] =	sst s10  }
0x35: {  	s10 =	sld [smem:$0x3FB6];
	_ =	sdelay $0x3  }
0x36: {  	p1 =	seq.s32 s10, $0x1;
	s10 =	sld [smem:$0x3FB7];
	_ =	sdelay $0x3  }
0x37: {  	[smem:$0x3FB7] =	sst s10  }
0x38: {  	s10 =	sld [smem:$0x3FB8]  }
0x39: {  	_ = 	snop;
	(pc) =	sbr.ind lr, $3  }
0x3a: {  	_ = 	snop  }
0x3b: {  	_ = 	snop  }
0x3c: {  	p2 =	seq.s32 s10, $0x1;
	s10 =	sld [smem:$0x3FB7]  }
0x3d: {  	_ =	shalt  }
0x3e: {  	_ =	shalt  }
0x3f: {  	_ =	shalt  }
0x40: {  	_ =	shalt  }
0x41: {  	_ =	shalt  }
0x42: {  	_ =	shalt  }
0x43: {  	_ =	shalt  }
0x44: {  	_ =	shalt  }
0x45: {  	_ =	shalt  }
0x46: {  	_ =	shalt  }
0x47: {  	_ =	shalt  }
0x48: {  	_ =	shalt  }
0x49: {  	_ =	shalt  }
0x4a: {  	_ =	shalt  }
0x4b: {  	_ =	shalt  }
0x4c: {  	_ =	shalt  }
0x4d: {  	_ =	shalt  }
0x4e: {  	_ =	shalt  }
0x4f: {  	_ =	shalt  }
0x50: {  	_ =	shalt  }
0x51: {  	_ =	shalt  }
0x52: {  	_ =	shalt  }
0x53: {  	_ =	shalt  }
0x54: {  	_ =	shalt  }
0x55: {  	_ =	shalt  }
0x56: {  	_ =	shalt  }
0x57: {  	_ =	shalt  }
0x58: {  	_ =	shalt  }
0x59: {  	_ =	shalt  }
0x5a: {  	_ =	shalt  }
0x5b: {  	_ =	shalt  }
0x5c: {  	_ =	shalt  }
0x5d: {  	_ =	shalt  }
0x5e: {  	_ =	shalt  }
0x5f: {  	_ =	shalt  }
0x60: {  	_ =	shalt  }
0x61: {  	_ =	shalt  }
0x62: {  	_ =	shalt  }
0x63: {  	_ =	shalt  }
0x64: {  	_ =	shalt  }
0x65: {  	_ =	shalt  }
0x66: {  	_ =	shalt  }
0x67: {  	_ =	shalt  }
0x68: {  	_ =	shalt  }
0x69: {  	_ =	shalt  }
0x6a: {  	_ =	shalt  }
0x6b: {  	_ =	shalt  }
0x6c: {  	_ =	shalt  }
0x6d: {  	_ =	shalt  }
0x6e: {  	_ =	shalt  }
0x6f: {  	_ =	shalt  }
0x70: {  	_ =	shalt  }
0x71: {  	_ =	shalt  }
0x72: {  	_ =	shalt  }
0x73: {  	_ =	shalt  }
0x74: {  	_ =	shalt  }
0x75: {  	_ =	shalt  }
0x76: {  	_ =	shalt  }
0x77: {  	_ =	shalt  }
0x78: {  	_ =	shalt  }
0x79: {  	_ =	shalt  }
0x7a: {  	_ =	shalt  }
0x7b: {  	_ =	shalt  }
0x7c: {  	_ =	shalt  }
0x7d: {  	_ =	shalt  }
0x7e: {  	_ =	shalt  }
0x7f: {  	_ =	shalt  }
0x80: {  	_ =	shalt  }
0x81: {  	_ =	shalt  }
0x82: {  	_ =	shalt  }
0x83: {  	_ =	shalt  }
0x84: {  	_ =	shalt  }
0x85: {  	_ =	shalt  }
0x86: {  	_ =	shalt  }
0x87: {  	_ =	shalt  }
.Lfunc_end0:
.L_simem_size_0:
called_computation_lowered:
.L_overlay_start_0:
0x88: {  	s2 =	sld [smem:$0x3FD9]  }
0x89: {  	s3 =	sld [smem:$0x3FFE];
	_ =	sdelay $0x1  }
0x8a: {  	s1 =	srdreg.scid  }
0x8b: {  	s0 =	sand.u32 $0x1, s1  }
0x8c: {  	s17 =	sshll.u32 s0, $0xA;
	s2 =	sadd.s32 s3, s2  }
0x8d: {  	s2 =	sadd.s32 s2, s17  }
0x8e: {  	[smem:$0x3FC3] =	sst s2  }
0x8f: {  	_ = 	snop  }
0x90: {  	s2 =	sld [smem:$0x3FD0];
	(tm) =	ssettm $0x1  }
0x91: {  	s18 =	sld [smem:$0x3FFB];
	_ =	sdelay $0x3  }
0x92: {  	_ =	strace s18  }
0x93: {  	s3 =	sld [smem:$0x3FFC];
	_ =	sdelay $0x3  }
0x94: {  	_ =	strace s3  }
0x95: {  	s3 =	sld [smem:$0x3FFD];
	_ =	sdelay $0x3  }
0x96: {  	_ =	strace s3  }
0x97: {  	_ =	strace $0x8FFFFFFF  }
0x98: {  	s19 =	sld [smem:$0x3FDB];
	_ =	sdelay $0x1  }
0x99: {  	s4 =	simm.s32 $_scs_section_size  }
0x9a: {  	s5 =	simm.s32 $_size__tile_overlayer_lowered;
	s6 =	simm.s32 $_tile_overlayer_lowered  }
0x9b: {  	s22 =	simm.s32 $0x1BFF;
	s21 =	sshll.u32 s6, $0x1;
	s3 =	sadd.s32 s4, s19  }
0x9c: {  	s7 =	simm.s32 $0x0;
	s20 =	sshll.u32 s5, $0x1;
	s5 =	sadd.s32 s21, s3  }
0x9d: {  	[timem:s7], [sflag:s22] =	dma.local [hbm:s5], s20  }
0x9e: {  	_ =	swait.ge [sflag:s22], s20  }
0x9f: {  	s4 =	ssub.s32 $0x0, s20;
	[sflag:s22] =	ssyncset.done $0x0  }
0xa0: {  	[sflag:s22] =	ssyncadd.s32 s4;
	_ =	sdelay $0x1  }
0xa1: {  	s23 =	simm.s32 $0x1B8B  }
0xa2: {  	_ =	swait.ge [sflag:s23], $0x1  }
0xa3: {  	[sflag:s23] =	ssyncset.done $0x0  }
0xa4: {  	s25 =	simm.s32 $0x1B8E;
	s24 =	sld [smem:$0x3FFE];
	[sflag:s23] =	ssyncadd.s32 $0xFFFFFFFF  }
0xa5: {  	s26 =	simm.s32 $execute0_lowered;
	[smem:$0x3FD2] =	sst s25  }
0xa6: {  	s5 =	sshll.u32 s26, $0x1;
	_ =	strace $0x80000046;
	[dreg:$0x1] =	wrdreg $0xFFFFFFFF  }
0xa7: {  	s28 =	simm.s32 $_size_execute0_lowered;
	s3 =	sadd.s32 s3, s5;
	[dreg:$0x0] =	wrdreg $0x0  }
0xa8: {  	s5 =	sshll.u32 s28, $0x1;
	[dreg:$0x2] =	wrdreg s3  }
0xa9: {  	[dreg:$0x3] =	wrdreg s5  }
0xaa: {  	[dreg:$0x4] =	wrdreg $0xC0  }
0xab: {  	_ =	task [dreg:s7], $0x5FFFF  }
0xac: {  	[dreg:$0x1] =	wrdreg $0xFFFFFFFF  }
0xad: {  	[dreg:$0x0] =	wrdreg $0x60  }
0xae: {  	[dreg:$0x2] =	wrdreg s2  }
0xaf: {  	[dreg:$0x3] =	wrdreg s24  }
0xb0: {  	[dreg:$0x4] =	wrdreg $0x53000  }
0xb1: {  	[dreg:$0x5] =	wrdreg $0x55800  }
0xb2: {  	[dreg:$0x6] =	wrdreg $0x9  }
0xb3: {  	_ =	task.clear_ibuf [dreg:s7], $0x7FFFF;
	_ =	strace $0x90000046  }
0xb4: {  	s29 =	simm.s32 $0x9;
	_ =	strace $0x80000048  }
0xb5: {  	_ =	swait.ge [sflag:s29], $0x1  }
0xb6: {  	[sflag:s29] =	ssyncadd.s32 $0xFFFFFFFF  }
0xb7: {  	_ =	strace $0x90000048  }
0xb8: {  	_ =	sfence  }
0xb9: {  	s30 =	sld [smem:$0x0];
	_ =	sdelay $0x2  }
0xba: {  	s31 =	sshll.u32 s1, $0xD;
	s1 =	sshrl.u32 s1, $0x2  }
0xbb: {  	s3 =	sand.u32 $0x4000, s31;
	s1 =	sadd.s32 s1, s30  }
0xbc: {  	s0 =	sor.u32 s3, s0;
	s1 =	sshll.u32 s1, $0x11  }
0xbd: {  	s0 =	sor.u32 s1, s0  }
0xbe: {  	s0 =	sadd.s32 $0x8F2B, s0  }
0xbf: {  	[sflag:s0] =	ssyncadd.remote.s32 $0x1  }
0xc0: {  	_ =	sfence.sel $0xFFFF  }
0xc1: {  	[dreg:$0x0] =	wrdreg $0xFFFFFFFF;
	(pc) =	sbr.abs _section_cstart, $3  }
0xc2: {  	[dreg:$0x1] =	wrdreg $0xFFFFFFFF  }
0xc3: {  	_ =	task.clear_ibuf [dreg:s7], $0x2FFFF;
	_ =	strace $0x9FFFFFFF  }
0xc4: {  	(tm) =	ssettm $0x7FFFFFFF  }
0xc5: {  	_ =	shalt  }
tec
execute0_lowered:
.L_overlay_start_1:
0x0: {  	(tag) =	ssettag $0x1  }
0x1: {  	s5 =	rddreg [dreg:$0x0]  }
0x2: {  	s6 =	rddreg [dreg:$0x1]  }
0x3: {  	s1 =	rddreg [dreg:$0x2]  }
0x4: {  	s0 =	srdreg.scid;
	s3 =	rddreg [dreg:$0x3]  }
0x5: {  	s2 =	stileid.u32;
	s4 =	simm.s32 $0x0;
	s13 =	simm.s32 $0x1  }
0x6: {  	s14 =	simm.s32 $0x2;
	s15 =	simm.s32 $0x5080;
	s16 =	simm.s32 $0x3  }
0x7: {  	s17 =	simm.s32 $0x7D;
	s19 =	simm.s32 $0x5000;
	s22 =	simm.s32 $0x20  }
0x8: {  	s23 =	simm.s32 $0x10;
	s7 =	sand.u32 $0x1, s0;
	s0 =	rddreg [dreg:$0x4]  }
0x9: {  	s24 =	simm.s32 $0x0;
	s9 =	smul.u32 $0x500, s2;
	[smem:$0x7FF] =	sst s4  }
0xa: {  	s31 =	smul.u32 $0x280, s2;
	s18 =	sshll.u32 s2, $0x6;
	s8 =	sshll.u32 s7, $0x4  }
0xb: {  	s10 =	sshll.u32 s7, $0x7;
	_ =	strace $0x80000047;
	s7 =	ssub.s32 $0x2, s7  }
0xc: {  	s20 =	sor.u32 $0x1C01, s18;
	s8 =	sor.u32 s2, s8;
	s9 =	sor.u32 s10, s9  }
0xd: {  	s30 =	sshrl.u32 s7, $0x1;
	s8 =	smul.u32 $0x500, s8;
	s9 =	sshrl.u32 s9, $0x3  }
0xe: {  	s12 =	ssub.s32 s7, s30;
	s7 =	sadd.s32 s31, s1;
	s11 =	sadd.s32 s9, s6  }
0xf: {  	s21 =	sshrl.u32 s7, $0x3;
	s29 =	sadd.s32 s8, s6;
	s5 =	sadd.s32 s5, s8  }
0x10: {  	s8 =	sadd.s32 s31, s3;
	s9 =	sadd.s32 $0xC000, s11;
	s10 =	sadd.s32 $0xCA00, s11  }
0x11: {  	v0 =	vimm.f32 $1.000000000e+00;
	v1 =	vimm.f32 $0.0e+00;
	s11 =	smax.u32 s12, $0x1;
	s12 =	simm.s32 $0x2800;
	s6 =	sadd.s32 $0x2000, s29  }
.LBB2_1:
0x12: {  	[tilespmem:s4], [sflag:$0x1] =	stream.linear.gather [hbm4b:s5+s4], $0x2800, $0x38;
	[tilespmem:$0x5800] =	vst v63  }
0x13: {  	_ = 	snop  }
0x14: {  	[tilespmem:s12], [sflag:$0x2] =	stream.linear.gather [hbm4b:s6+s4], $0x2800, $0x38;
	[tilespmem:$0x5800] =	vst v63  }
0x15: {  	[tilespmem:$0x5000] =	vst v0  }
0x16: {  	[tilespmem:$0x5010] =	vst v0  }
0x17: {  	[tilespmem:$0x5020] =	vst v0  }
0x18: {  	[tilespmem:$0x5030] =	vst v0  }
0x19: {  	[tilespmem:$0x5040] =	vst v0  }
0x1a: {  	[tilespmem:$0x5050] =	vst v0  }
0x1b: {  	[tilespmem:$0x5060] =	vst v0  }
0x1c: {  	[tilespmem:$0x5070] =	vst v0  }
0x1d: {  	[tilespmem:$0x5080] =	vst v1  }
0x1e: {  	[tilespmem:$0x5090] =	vst v1  }
0x1f: {  	[tilespmem:$0x50A0] =	vst v1  }
0x20: {  	[tilespmem:$0x50B0] =	vst v1  }
0x21: {  	[tilespmem:$0x50C0] =	vst v1  }
0x22: {  	[tilespmem:$0x50D0] =	vst v1  }
0x23: {  	[tilespmem:$0x50E0] =	vst v1  }
0x24: {  	[tilespmem:$0x50F0] =	vst v1  }
0x25: {  	[tilespmem:$0x5100] =	vst v1  }
0x26: {  	[tilespmem:$0x5110] =	vst v1  }
0x27: {  	[tilespmem:$0x5120] =	vst v1  }
0x28: {  	[tilespmem:$0x5130] =	vst v1  }
0x29: {  	[tilespmem:$0x5140] =	vst v1  }
0x2a: {  	[tilespmem:$0x5150] =	vst v1  }
0x2b: {  	[tilespmem:$0x5160] =	vst v1  }
0x2c: {  	[tilespmem:$0x5170] =	vst v1  }
0x2d: {  	[tilespmem:$0x5180] =	vst v1  }
0x2e: {  	[tilespmem:$0x5190] =	vst v1  }
0x2f: {  	[tilespmem:$0x51A0] =	vst v1  }
0x30: {  	[tilespmem:$0x51B0] =	vst v1  }
0x31: {  	[tilespmem:$0x51C0] =	vst v1  }
0x32: {  	[tilespmem:$0x51D0] =	vst v1  }
0x33: {  	[tilespmem:$0x51E0] =	vst v1  }
0x34: {  	[tilespmem:$0x51F0] =	vst v1  }
0x35: {  	[tilespmem:$0x5200] =	vst v1  }
0x36: {  	[tilespmem:$0x5210] =	vst v1  }
0x37: {  	[tilespmem:$0x5220] =	vst v1  }
0x38: {  	[tilespmem:$0x5230] =	vst v1  }
0x39: {  	[tilespmem:$0x5240] =	vst v1  }
0x3a: {  	[tilespmem:$0x5250] =	vst v1  }
0x3b: {  	[tilespmem:$0x5260] =	vst v1  }
0x3c: {  	[tilespmem:$0x5270] =	vst v1  }
0x3d: {  	[tilespmem:$0x5280] =	vst v1  }
0x3e: {  	[tilespmem:$0x5290] =	vst v1  }
0x3f: {  	[tilespmem:$0x52A0] =	vst v1  }
0x40: {  	[tilespmem:$0x52B0] =	vst v1  }
0x41: {  	[tilespmem:$0x52C0] =	vst v1  }
0x42: {  	[tilespmem:$0x52D0] =	vst v1  }
0x43: {  	[tilespmem:$0x52E0] =	vst v1  }
0x44: {  	[tilespmem:$0x52F0] =	vst v1  }
0x45: {  	_ =	swait.ge [sflag:s13], $0x2800  }
0x46: {  	[sflag:s13] =	ssyncset.done $0x0  }
0x47: {  	[sflag:s13] =	ssyncadd.s32 $0xFFFFD800  }
0x48: {  	_ =	swait.ge [sflag:s14], $0x2800  }
0x49: {  	[sflag:s14] =	ssyncset.done $0x0  }
0x4a: {  	[sflag:s14] =	ssyncadd.s32 $0xFFFFD800  }
0x4b: {  	[spmem:s7] =	stream.linear.scatter [tilespmem:s15], [sflag:$0x3], $0x280, $0x38;
	[tilespmem:$0x5800] =	vst v63  }
0x4c: {  	_ =	swait.ge [sflag:s16], $0x280  }
0x4d: {  	[sflag:s16] =	ssyncset.done $0x0  }
0x4e: {  	[sflag:s16] =	ssyncadd.s32 $0xFFFFFD80  }
0x4f: {  	[spmem:s8] =	stream.linear.scatter [tilespmem:s15], [sflag:$0x3], $0x280, $0x38;
	[tilespmem:$0x5800] =	vst v63  }
0x50: {  	_ =	swait.ge [sflag:s16], $0x280  }
0x51: {  	[sflag:s16] =	ssyncset.done $0x0  }
0x52: {  	[sflag:s16] =	ssyncadd.s32 $0xFFFFFD80  }
0x53: {  	[bflag:$0x0] =	sbarrier.arrive $0xFFFF  }
0x54: {  	[spmem:s1] =	stream.indirect.scatter.add.f32 [tilespmem:s19], [sflag:$0x1], $0x1, s4, s17, $0xb8;
	[tilespmem:$0x5800] =	vst v63  }
0x55: {  	_ = 	snop  }
0x56: {  	[spmem:s3] =	stream.indirect.scatter.add.f32 [tilespmem:s19], [sflag:$0x2], $0x1, s12, s17, $0xb8;
	[tilespmem:$0x5800] =	vst v63  }
0x57: {  	s25 =	simm.s32 $0x80  }
0x58: {  	[spmem:s1] =	stream.indirect.scatter.add.f32 [tilespmem:s19], [sflag:$0x1], $0x1, s25, s17, $0xb8;
	[tilespmem:$0x5800] =	vst v63  }
0x59: {  	s31 =	simm.s32 $0x2880  }
0x5a: {  	[spmem:s3] =	stream.indirect.scatter.add.f32 [tilespmem:s19], [sflag:$0x2], $0x1, s31, s17, $0xb8;
	[tilespmem:$0x5800] =	vst v63  }
0x5b: {  	_ =	swait.ge [sflag:s13], $0x7D  }
0x5c: {  	[sflag:s13] =	ssyncset.done $0x0  }
0x5d: {  	[sflag:s13] =	ssyncadd.s32 $0xFFFFFF83  }
0x5e: {  	_ =	swait.ge [sflag:s14], $0x7D  }
0x5f: {  	s26 =	simm.s32 $0x600;
	s25 =	simm.s32 $0x400;
	[sflag:s14] =	ssyncset.done $0x0  }
.LBB2_2:
0x60: {  	s28 =	sshra.s32 s25, $0x2  }
0x61: {  	[sflag:s14] =	ssyncadd.s32 $0xFFFFFF83;
	s25 =	smov.u32 s26;
	s29 =	sadd.s32 $0x200, s26  }
0x62: {  	[spmem:s1] =	stream.indirect.scatter.add.f32 [tilespmem:s19], [sflag:$0x1], $0x1, s28, s17, $0xb8;
	[tilespmem:$0x5800] =	vst v63  }
0x63: {  	p0 =	sne.s32 s26, $0x9E00;
	s26 =	sadd.s32 $0x2800, s28  }
0x64: {  	[spmem:s3] =	stream.indirect.scatter.add.f32 [tilespmem:s19], [sflag:$0x2], $0x1, s26, s17, $0xb8;
	[tilespmem:$0x5800] =	vst v63  }
.Ltmp0:
0x65: {  	_ =	swait.ge [sflag:s13], $0x7D;
	(pc) =	sbr.rel @p0 .LBB2_2-.Ltmp0, $4  }
0x66: {  	[sflag:s13] =	ssyncset.done $0x0  }
0x67: {  	[sflag:s13] =	ssyncadd.s32 $0xFFFFFF83  }
0x68: {  	_ =	swait.ge [sflag:s14], $0x7D  }
0x69: {  	s26 =	smov.u32 s29;
	[sflag:s14] =	ssyncset.done $0x0  }
0x6a: {  	s25 =	sshra.s32 s25, $0x2;
	[sflag:s14] =	ssyncadd.s32 $0xFFFFFF83  }
0x6b: {  	[spmem:s1] =	stream.indirect.scatter.add.f32 [tilespmem:s19], [sflag:$0x1], $0x1, s25, s17, $0xb8;
	[tilespmem:$0x5800] =	vst v63  }
0x6c: {  	s25 =	sadd.s32 $0x2800, s25  }
0x6d: {  	[spmem:s3] =	stream.indirect.scatter.add.f32 [tilespmem:s19], [sflag:$0x2], $0x1, s25, s17, $0xb8;
	[tilespmem:$0x5800] =	vst v63  }
0x6e: {  	_ =	swait.ge [sflag:s13], $0x7D  }
0x6f: {  	[sflag:s13] =	ssyncset.done $0x0  }
0x70: {  	[sflag:s13] =	ssyncadd.s32 $0xFFFFFF83  }
0x71: {  	_ =	swait.ge [sflag:s14], $0x7D  }
0x72: {  	[sflag:s14] =	ssyncset.done $0x0  }
0x73: {  	[sflag:s14] =	ssyncadd.s32 $0xFFFFFF83  }
0x74: {  	_ =	swait.ge [sflag:s13], $0x7D  }
0x75: {  	[sflag:s13] =	ssyncset.done $0x0  }
0x76: {  	[sflag:s13] =	ssyncadd.s32 $0xFFFFFF83  }
0x77: {  	_ =	swait.ge [sflag:s14], $0x7D  }
0x78: {  	[sflag:s14] =	ssyncset.done $0x0  }
0x79: {  	s31 =	sor.u32 $0x1C02, s18;
	[sflag:s14] =	ssyncadd.s32 $0xFFFFFF83  }
0x7a: {  	s26 =	sshrl.u32 s8, $0x3;
	s24 =	sadd.s32 $0x1, s24;
	[bflag:$0x0] =	sbarrier.arrive $0xFFFF  }
0x7b: {  	[hbm:s9@s22], [sflag:s20] =	dma.strided [spmem:s21@s23], $0x50, s13, $0x10   }
0x7c: {  	[hbm:s10@s22], [sflag:s31] =	dma.strided [spmem:s26@s23], $0x50, s13, $0x10   }
0x7d: {  	p0 =	sne.s32 s24, s11;
	_ =	swait.ge [sflag:s13], $0x50  }
.Ltmp1:
0x7e: {  	[sflag:s13] =	ssyncset.done $0x0;
	(pc) =	sbr.rel @p0 .LBB2_1-.Ltmp1, $4  }
0x7f: {  	[sflag:s13] =	ssyncadd.s32 $0xFFFFFFB0  }
0x80: {  	_ =	swait.ge [sflag:s14], $0x50  }
0x81: {  	[sflag:s14] =	ssyncset.done $0x0  }
0x82: {  	[sflag:s14] =	ssyncadd.s32 $0xFFFFFFB0  }
0x83: {  	_ =	sfence.sel $0x180000  }
0x84: {  	[bflag:$0x0] =	sbarrier.arrive $0xFFFF  }
0x85: {  	p0 =	sne.s32 s2, $0x0;
	_ =	strace $0x90000047  }
0x86: {  	s0 =	sadd.s32 @!p0 $0x100000, s0;
	[bflag:$0x2] =	sbarrier.arrive $0xFFFF  }
0x87: {  	[sflag:s0] =	ssyncadd.tile.s32 @!p0 $0x1;
	_ =	shalt  }
.Lfunc_end2:
_tile_overlayer_lowered:
.L_overlay_start_2:
0x88: {  	(tag) =	ssettag $0x2  }
0x89: {  	s0 =	rddreg [dreg:$0x0];
	s2 =	stileid.u32  }
0x8a: {  	s1 =	rddreg [dreg:$0x1];
	p0 =	sne.s32 s2, $0x0  }
0x8b: {  	s3 =	rddreg [dreg:$0x2];
	[bflag:$0x3] =	sbarrier.arrive $0xFFFF;
	s2 =	simm.s32 @!p0 $0x1C03  }
0x8c: {  	[timem:s3], [sflag:s2] =	dma.local @!p0 [hbm:s0], s1  }
0x8d: {  	s0 =	simm.s32 @!p0 $0x3  }
0x8e: {  	_ =	swait.ge @!p0 [sflag:s0], s1  }
0x8f: {  	s1 =	ssub.s32 @!p0 $0x0, s1;
	[sflag:s0] =	ssyncset.done @!p0 $0x0  }
0x90: {  	[sflag:s0] =	ssyncadd.s32 @!p0 s1  }
0x91: {  	[bflag:$0x3] =	sbarrier.arrive $0xFFFF  }
0x92: {  	_ =	shalt  }

// kernel: kernel.9.cloned.1.call-start
scs
__scs_entry_jumppad:
0x0: {  	(pc) =	sbr.rel $0x88, $3  }
0x1: {  	(tag) =	ssettag $0x0;
	lr =	simm.s32 $0x1  }
0x2: {  	[smem:$0x3F9C] =	sst lr;
	_ =	strace $0xD0000000  }
0x3: {  	_ = 	snop  }
0x4: {  	_ = 	snop  }
0x5: {  	_ = 	snop  }
0x6: {  	_ = 	snop  }
0x7: {  	_ = 	snop  }
__scs_overlays_trampoline_lowered:
0x8: {  	[smem:$0x3FAB] =	sst s0  }
0x9: {  	[smem:$0x3FAC] =	sst s1  }
0xa: {  	[smem:$0x3FAD] =	sst s2  }
0xb: {  	[smem:$0x3FAE] =	sst s3  }
0xc: {  	[smem:$0x3FAF] =	sst s4  }
0xd: {  	[smem:$0x3FB0] =	sst s5  }
0xe: {  	[smem:$0x3FB1] =	sst s6  }
0xf: {  	[smem:$0x3FB2] =	sst s7  }
0x10: {  	[smem:$0x3FB3] =	sst s8  }
0x11: {  	[smem:$0x3FB4] =	sst s9;
	s0 =	simm.s32 @!p0 $0x0  }
0x12: {  	s1 =	sld [smem:$0x3F9A];
	s0 =	simm.s32 @p0 $0x1  }
0x13: {  	[smem:$0x3FB5] =	sst s0;
	s0 =	simm.s32 @!p1 $0x0  }
0x14: {  	s2 =	sld [smem:$0x3F99];
	s0 =	simm.s32 @p1 $0x1  }
0x15: {  	[smem:$0x3FB6] =	sst s0;
	s0 =	simm.s32 @!p2 $0x0  }
0x16: {  	s3 =	sld [smem:$0x3FDB];
	s0 =	simm.s32 @p2 $0x1  }
0x17: {  	s4 =	simm.s32 $0x1BF5;
	[smem:$0x3FB8] =	sst s0  }
0x18: {  	s0 =	sld [smem:$0x3F9B];
	_ =	swait.ge [sflag:s4], $0x0  }
0x19: {  	s7 =	sld [smem:$0x3F9C]  }
0x1a: {  	s8 =	sadd.s32 $0xFFFFE003, lr  }
0x1b: {  	s9 =	sadd.s32 $0xFFFFFEF7, lr;
	s5 =	simm.s32 $0xFFFFFFFF;
	p2 =	slt.u32 s8, $0xFFFFF086  }
0x1c: {  	p1 =	slt.u32 s9, $0xF7A;
	s5 =	simm.s32 @!p2 $0x0  }
0x1d: {  	s5 =	simm.s32 @p1 $0x1;
	p0 =	seq.s32 s7, s2  }
0x1e: {  	s7 =	smul.u32 @!p0 $0xF7A, s2;
	p2 =	seq.s32 @!p0 s5, $0x0  }
0x1f: {  	s9 =	smul.u32 $0xF7A, s1;
	s8 =	simm.s32 @!p0 $0x1BF5;
	p2 =	por !p2, p0  }
0x20: {  	[sflag:s8] =	ssyncset.s32 @!p0 $0xFFFFF086;
	s6 =	sadd.s32 @!p0 s3, s7;
	s7 =	simm.s32 @!p0 $0x108  }
0x21: {  	s3 =	sadd.s32 s3, s9;
	s6 =	sadd.s32 @!p0 $0x88, s6;
	s7 =	simm.s32 @p2 $0x1082  }
0x22: {  	[simem:s7], [sflag:s8] =	dma.local @!p0 [hbm:s6], $0xF7A  }
0x23: {  	s9 =	sor.u32 $0xD0000000, s2;
	s6 =	simm.s32 $0x108;
	_ =	swait.ge @!p0 [sflag:s8], $0x0  }
0x24: {  	s3 =	sadd.s32 $0x88, s3;
	s6 =	simm.s32 @!p1 $0x1082;
	[sflag:s4] =	ssyncset.s32 $0xFFFFF086  }
0x25: {  	[simem:s6], [sflag:s4] =	dma.local [hbm:s3], $0xF7A  }
0x26: {  	[smem:$0x3F9C] =	sst s1;
	(tag) =	ssettag s2;
	_ =	strace s9  }
0x27: {  	s1 =	sld [smem:$0x3FAC]  }
0x28: {  	s2 =	sld [smem:$0x3FAD]  }
0x29: {  	s4 =	sld [smem:$0x3FAF]  }
0x2a: {  	p0 =	seq.s32 s5, $0x0;
	s5 =	sld [smem:$0x3FB0]  }
0x2b: {  	s6 =	sld [smem:$0x3FB1]  }
0x2c: {  	s7 =	sld [smem:$0x3FB2]  }
0x2d: {  	s3 =	simm.s32 $0x108;
	s8 =	sld [smem:$0x3FB3]  }
0x2e: {  	s3 =	simm.s32 @!p0 $0x1082;
	s9 =	sld [smem:$0x3FB4]  }
0x2f: {  	lr =	sadd.s32 s0, s3;
	s0 =	sld [smem:$0x3FAB]  }
0x30: {  	s3 =	sld [smem:$0x3FAE]  }
0x31: {  	[smem:$0x3FB7] =	sst s10  }
0x32: {  	s10 =	sld [smem:$0x3FB5];
	_ =	sdelay $0x3  }
0x33: {  	p0 =	seq.s32 s10, $0x1;
	s10 =	sld [smem:$0x3FB7];
	_ =	sdelay $0x3  }
0x34: {  	[smem:$0x3FB7] =	sst s10  }
0x35: {  	s10 =	sld [smem:$0x3FB6];
	_ =	sdelay $0x3  }
0x36: {  	p1 =	seq.s32 s10, $0x1;
	s10 =	sld [smem:$0x3FB7];
	_ =	sdelay $0x3  }
0x37: {  	[smem:$0x3FB7] =	sst s10  }
0x38: {  	s10 =	sld [smem:$0x3FB8]  }
0x39: {  	_ = 	snop;
	(pc) =	sbr.ind lr, $3  }
0x3a: {  	_ = 	snop  }
0x3b: {  	_ = 	snop  }
0x3c: {  	p2 =	seq.s32 s10, $0x1;
	s10 =	sld [smem:$0x3FB7]  }
0x3d: {  	_ =	shalt  }
0x3e: {  	_ =	shalt  }
0x3f: {  	_ =	shalt  }
0x40: {  	_ =	shalt  }
0x41: {  	_ =	shalt  }
0x42: {  	_ =	shalt  }
0x43: {  	_ =	shalt  }
0x44: {  	_ =	shalt  }
0x45: {  	_ =	shalt  }
0x46: {  	_ =	shalt  }
0x47: {  	_ =	shalt  }
0x48: {  	_ =	shalt  }
0x49: {  	_ =	shalt  }
0x4a: {  	_ =	shalt  }
0x4b: {  	_ =	shalt  }
0x4c: {  	_ =	shalt  }
0x4d: {  	_ =	shalt  }
0x4e: {  	_ =	shalt  }
0x4f: {  	_ =	shalt  }
0x50: {  	_ =	shalt  }
0x51: {  	_ =	shalt  }
0x52: {  	_ =	shalt  }
0x53: {  	_ =	shalt  }
0x54: {  	_ =	shalt  }
0x55: {  	_ =	shalt  }
0x56: {  	_ =	shalt  }
0x57: {  	_ =	shalt  }
0x58: {  	_ =	shalt  }
0x59: {  	_ =	shalt  }
0x5a: {  	_ =	shalt  }
0x5b: {  	_ =	shalt  }
0x5c: {  	_ =	shalt  }
0x5d: {  	_ =	shalt  }
0x5e: {  	_ =	shalt  }
0x5f: {  	_ =	shalt  }
0x60: {  	_ =	shalt  }
0x61: {  	_ =	shalt  }
0x62: {  	_ =	shalt  }
0x63: {  	_ =	shalt  }
0x64: {  	_ =	shalt  }
0x65: {  	_ =	shalt  }
0x66: {  	_ =	shalt  }
0x67: {  	_ =	shalt  }
0x68: {  	_ =	shalt  }
0x69: {  	_ =	shalt  }
0x6a: {  	_ =	shalt  }
0x6b: {  	_ =	shalt  }
0x6c: {  	_ =	shalt  }
0x6d: {  	_ =	shalt  }
0x6e: {  	_ =	shalt  }
0x6f: {  	_ =	shalt  }
0x70: {  	_ =	shalt  }
0x71: {  	_ =	shalt  }
0x72: {  	_ =	shalt  }
0x73: {  	_ =	shalt  }
0x74: {  	_ =	shalt  }
0x75: {  	_ =	shalt  }
0x76: {  	_ =	shalt  }
0x77: {  	_ =	shalt  }
0x78: {  	_ =	shalt  }
0x79: {  	_ =	shalt  }
0x7a: {  	_ =	shalt  }
0x7b: {  	_ =	shalt  }
0x7c: {  	_ =	shalt  }
0x7d: {  	_ =	shalt  }
0x7e: {  	_ =	shalt  }
0x7f: {  	_ =	shalt  }
0x80: {  	_ =	shalt  }
0x81: {  	_ =	shalt  }
0x82: {  	_ =	shalt  }
0x83: {  	_ =	shalt  }
0x84: {  	_ =	shalt  }
0x85: {  	_ =	shalt  }
0x86: {  	_ =	shalt  }
0x87: {  	_ =	shalt  }
.Lfunc_end0:
.L_simem_size_0:
called_computation.1_lowered:
.L_overlay_start_0:
0x88: {  	s2 =	sld [smem:$0x3FD9]  }
0x89: {  	s3 =	sld [smem:$0x3FFE];
	_ =	sdelay $0x1  }
0x8a: {  	s1 =	srdreg.scid  }
0x8b: {  	s0 =	sand.u32 $0x1, s1  }
0x8c: {  	s17 =	sshll.u32 s0, $0xA;
	s2 =	sadd.s32 s3, s2  }
0x8d: {  	s2 =	sadd.s32 s2, s17  }
0x8e: {  	[smem:$0x3FC3] =	sst s2  }
0x8f: {  	_ = 	snop  }
0x90: {  	s2 =	sld [smem:$0x3FD0];
	(tm) =	ssettm $0x1  }
0x91: {  	s18 =	sld [smem:$0x3FFB];
	_ =	sdelay $0x3  }
0x92: {  	_ =	strace s18  }
0x93: {  	s3 =	sld [smem:$0x3FFC];
	_ =	sdelay $0x3  }
0x94: {  	_ =	strace s3  }
0x95: {  	s3 =	sld [smem:$0x3FFD];
	_ =	sdelay $0x3  }
0x96: {  	_ =	strace s3  }
0x97: {  	_ =	strace $0x8FFFFFFF  }
0x98: {  	s19 =	sld [smem:$0x3FDB];
	_ =	sdelay $0x1  }
0x99: {  	s4 =	simm.s32 $_scs_section_size  }
0x9a: {  	s5 =	simm.s32 $_size__tile_overlayer_lowered;
	s6 =	simm.s32 $_tile_overlayer_lowered  }
0x9b: {  	s22 =	simm.s32 $0x1BFF;
	s21 =	sshll.u32 s6, $0x1;
	s3 =	sadd.s32 s4, s19  }
0x9c: {  	s7 =	simm.s32 $0x0;
	s20 =	sshll.u32 s5, $0x1;
	s5 =	sadd.s32 s21, s3  }
0x9d: {  	[timem:s7], [sflag:s22] =	dma.local [hbm:s5], s20  }
0x9e: {  	_ =	swait.ge [sflag:s22], s20  }
0x9f: {  	s4 =	ssub.s32 $0x0, s20;
	[sflag:s22] =	ssyncset.done $0x0  }
0xa0: {  	[sflag:s22] =	ssyncadd.s32 s4;
	_ =	sdelay $0x1  }
0xa1: {  	s23 =	simm.s32 $0x1B8B  }
0xa2: {  	_ =	swait.ge [sflag:s23], $0x1  }
0xa3: {  	[sflag:s23] =	ssyncset.done $0x0  }
0xa4: {  	s25 =	simm.s32 $0x1B8E;
	s24 =	sld [smem:$0x3FFE];
	[sflag:s23] =	ssyncadd.s32 $0xFFFFFFFF  }
0xa5: {  	s26 =	simm.s32 $execute0_lowered;
	[smem:$0x3FD2] =	sst s25  }
0xa6: {  	s5 =	sshll.u32 s26, $0x1;
	_ =	strace $0x80000049;
	[dreg:$0x1] =	wrdreg $0xFFFFFFFF  }
0xa7: {  	s28 =	simm.s32 $_size_execute0_lowered;
	s3 =	sadd.s32 s3, s5;
	[dreg:$0x0] =	wrdreg $0x0  }
0xa8: {  	s5 =	sshll.u32 s28, $0x1;
	[dreg:$0x2] =	wrdreg s3  }
0xa9: {  	[dreg:$0x3] =	wrdreg s5  }
0xaa: {  	[dreg:$0x4] =	wrdreg $0xC0  }
0xab: {  	_ =	task [dreg:s7], $0x5FFFF  }
0xac: {  	[dreg:$0x1] =	wrdreg $0xFFFFFFFF  }
0xad: {  	[dreg:$0x0] =	wrdreg $0x60  }
0xae: {  	[dreg:$0x2] =	wrdreg s24  }
0xaf: {  	[dreg:$0x3] =	wrdreg s2  }
0xb0: {  	[dreg:$0x4] =	wrdreg $0xA8000  }
0xb1: {  	[dreg:$0x5] =	wrdreg $0x9  }
0xb2: {  	_ =	task.clear_ibuf [dreg:s7], $0x6FFFF;
	_ =	strace $0x90000049  }
0xb3: {  	s29 =	simm.s32 $0x9;
	_ =	strace $0x8000004B  }
0xb4: {  	_ =	swait.ge [sflag:s29], $0x1  }
0xb5: {  	[sflag:s29] =	ssyncadd.s32 $0xFFFFFFFF  }
0xb6: {  	_ =	strace $0x9000004B  }
0xb7: {  	_ =	sfence  }
0xb8: {  	s30 =	sld [smem:$0x0];
	_ =	sdelay $0x2  }
0xb9: {  	s31 =	sshll.u32 s1, $0xD;
	s1 =	sshrl.u32 s1, $0x2  }
0xba: {  	s3 =	sand.u32 $0x4000, s31;
	s1 =	sadd.s32 s1, s30  }
0xbb: {  	s0 =	sor.u32 s3, s0;
	s1 =	sshll.u32 s1, $0x11  }
0xbc: {  	s0 =	sor.u32 s1, s0  }
0xbd: {  	s0 =	sadd.s32 $0x8F2B, s0  }
0xbe: {  	[sflag:s0] =	ssyncadd.remote.s32 $0x1  }
0xbf: {  	_ =	sfence.sel $0xFFFF  }
0xc0: {  	[dreg:$0x0] =	wrdreg $0xFFFFFFFF;
	(pc) =	sbr.abs _section_cstart, $3  }
0xc1: {  	[dreg:$0x1] =	wrdreg $0xFFFFFFFF  }
0xc2: {  	_ =	task.clear_ibuf [dreg:s7], $0x2FFFF;
	_ =	strace $0x9FFFFFFF  }
0xc3: {  	(tm) =	ssettm $0x7FFFFFFF  }
tec
execute0_lowered:
.L_overlay_start_1:
0x0: {  	(tag) =	ssettag $0x1  }
0x1: {  	s0 =	rddreg [dreg:$0x0]  }
0x2: {  	s13 =	rddreg [dreg:$0x1]  }
0x3: {  	s2 =	rddreg [dreg:$0x2];
	s1 =	srdreg.scid  }
0x4: {  	s24 =	stileid.u32;
	s3 =	simm.s32 $0x0;
	s17 =	simm.s32 $0x1400  }
0x5: {  	s18 =	simm.s32 $0x2800;
	s19 =	simm.s32 $0x3;
	s20 =	simm.s32 $0x4  }
0x6: {  	s21 =	simm.s32 $0x1;
	s22 =	simm.s32 $0x2;
	s23 =	simm.s32 $0x7D  }
0x7: {  	s28 =	simm.s32 $0x2700;
	s29 =	simm.s32 $0x2780;
	s6 =	smul.u32 $0x14000, s24  }
0x8: {  	s30 =	simm.s32 $0x0;
	s5 =	sand.u32 $0x1, s1;
	s8 =	smul.u32 $0x50000, s24  }
0x9: {  	[smem:$0x7FF] =	sst s3;
	s14 =	sadd.s32 $0x2000, s0;
	s4 =	smul.u32 $0x140000, s5  }
0xa: {  	s7 =	sshll.u32 s5, $0x4;
	_ =	strace $0x8000004A;
	s5 =	ssub.s32 $0x2, s5  }
0xb: {  	s7 =	sor.u32 s24, s7;
	s25 =	sshrl.u32 s5, $0x1;
	s26 =	sshrl.u32 s8, $0x2  }
0xc: {  	s24 =	simm.s32 $0x6800;
	s6 =	sadd.s32 s6, s4;
	s7 =	smul.u32 $0x2800, s7  }
0xd: {  	s4 =	sadd.s32 $0xD400, s0;
	s16 =	ssub.s32 s5, s25;
	s6 =	sshrl.u32 s6, $0x3  }
0xe: {  	s25 =	simm.s32 $0x5;
	s16 =	smax.u32 s16, $0x1;
	s0 =	sadd.s32 s6, s0  }
0xf: {  	s12 =	sshrl.u32 s7, $0x3;
	s6 =	sadd.s32 s26, s2;
	s26 =	simm.s32 $0x1380  }
0x10: {  	s31 =	sadd.s32 s13, s12;
	s7 =	sadd.s32 s14, s12;
	s8 =	sadd.s32 $0x3E80, s6  }
0x11: {  	s9 =	sadd.s32 $0x7D00, s6;
	s10 =	sadd.s32 $0xBB80, s6;
	s11 =	sadd.s32 $0xFA00, s6  }
0x12: {  	s15 =	sadd.s32 $0x280, s12;
	s12 =	sadd.s32 $0x13880, s6;
	[dreg:$0x4] =	wrdreg s31  }
0x13: {  	v0 =	vimm.f32 $0.0e+00;
	s13 =	sadd.s32 s13, s15;
	s14 =	sadd.s32 s14, s15;
	s15 =	sadd.s32 $0x35400, s0  }
.LBB2_1:
0x14: {  	s0 =	simm.s32 $0x0;
	s1 =	rddreg [dreg:$0x4]  }
0x15: {  	[tilespmem:s0], [sflag:$0x1] =	stream.linear.gather [hbm4b:s1+s0], $0x1400, $0x38;
	[tilespmem:$0x1E800] =	vst v63  }
0x16: {  	_ = 	snop  }
0x17: {  	[tilespmem:s17], [sflag:$0x2] =	stream.linear.gather [hbm4b:s7+s0], $0x1400, $0x38;
	[tilespmem:$0x1E800] =	vst v63  }
0x18: {  	s31 =	simm.s32 $0x0;
	s0 =	simm.s32 $0x200  }
.LBB2_2:
0x19: {  	p0 =	sne.s32 s0, $0xF800;
	[tilespmem:s31+$0x2870] =	vst v0  }
0x1a: {  	[tilespmem:s31+$0x2800] =	vst v0  }
0x1b: {  	[tilespmem:s31+$0x2810] =	vst v0  }
.Ltmp0:
0x1c: {  	[tilespmem:s31+$0x2820] =	vst v0;
	(pc) =	sbr.rel @p0 .LBB2_2-.Ltmp0, $4  }
0x1d: {  	[tilespmem:s31+$0x2830] =	vst v0  }
0x1e: {  	[tilespmem:s31+$0x2840] =	vst v0  }
0x1f: {  	[tilespmem:s31+$0x2850] =	vst v0  }
0x20: {  	[tilespmem:s31+$0x2860] =	vst v0;
	s31 =	sshra.s32 s0, $0x2;
	s0 =	sadd.s32 $0x200, s0  }
0x21: {  	[tilespmem:s31+$0x2870] =	vst v0  }
0x22: {  	[tilespmem:s31+$0x2800] =	vst v0  }
0x23: {  	[tilespmem:s31+$0x2810] =	vst v0  }
0x24: {  	[tilespmem:s31+$0x2820] =	vst v0  }
0x25: {  	[tilespmem:s31+$0x2830] =	vst v0  }
0x26: {  	[tilespmem:s31+$0x2840] =	vst v0  }
0x27: {  	[tilespmem:s31+$0x2850] =	vst v0  }
0x28: {  	[tilespmem:s31+$0x2860] =	vst v0  }
0x29: {  	[spmem:s6] =	stream.linear.scatter [tilespmem:s18], [sflag:$0x3], $0x3E80, $0x38;
	[tilespmem:$0x1E800] =	vst v63  }
0x2a: {  	_ = 	snop  }
0x2b: {  	[spmem:s8] =	stream.linear.scatter [tilespmem:s18], [sflag:$0x4], $0x3E80, $0x38;
	[tilespmem:$0x1E800] =	vst v63  }
0x2c: {  	_ = 	snop  }
0x2d: {  	[spmem:s9] =	stream.linear.scatter [tilespmem:s18], [sflag:$0x3], $0x3E80, $0x38;
	[tilespmem:$0x1E800] =	vst v63  }
0x2e: {  	_ = 	snop  }
0x2f: {  	[spmem:s10] =	stream.linear.scatter [tilespmem:s18], [sflag:$0x4], $0x3E80, $0x38;
	[tilespmem:$0x1E800] =	vst v63  }
0x30: {  	_ = 	snop  }
0x31: {  	[spmem:s11] =	stream.linear.scatter [tilespmem:s18], [sflag:$0x3], $0x3E80, $0x38;
	[tilespmem:$0x1E800] =	vst v63  }
0x32: {  	_ = 	snop  }
0x33: {  	[spmem:s12] =	stream.linear.scatter [tilespmem:s18], [sflag:$0x4], $0x780, $0x38;
	[tilespmem:$0x1E800] =	vst v63  }
0x34: {  	_ =	swait.ge [sflag:s19], $0x3E80  }
0x35: {  	[sflag:s19] =	ssyncset.done $0x0  }
0x36: {  	[sflag:s19] =	ssyncadd.s32 $0xFFFFC180  }
0x37: {  	_ =	swait.ge [sflag:s20], $0x3E80  }
0x38: {  	[sflag:s20] =	ssyncset.done $0x0  }
0x39: {  	[sflag:s20] =	ssyncadd.s32 $0xFFFFC180  }
0x3a: {  	_ =	swait.ge [sflag:s19], $0x3E80  }
0x3b: {  	[sflag:s19] =	ssyncset.done $0x0  }
0x3c: {  	[sflag:s19] =	ssyncadd.s32 $0xFFFFC180  }
0x3d: {  	_ =	swait.ge [sflag:s20], $0x3E80  }
0x3e: {  	[sflag:s20] =	ssyncset.done $0x0  }
0x3f: {  	[sflag:s20] =	ssyncadd.s32 $0xFFFFC180  }
0x40: {  	_ =	swait.ge [sflag:s19], $0x3E80  }
0x41: {  	[sflag:s19] =	ssyncset.done $0x0  }
0x42: {  	[sflag:s19] =	ssyncadd.s32 $0xFFFFC180  }
0x43: {  	_ =	swait.ge [sflag:s20], $0x780  }
0x44: {  	[sflag:s20] =	ssyncset.done $0x0  }
0x45: {  	[sflag:s20] =	ssyncadd.s32 $0xFFFFF880  }
0x46: {  	_ =	swait.ge [sflag:s21], $0x1400  }
0x47: {  	[sflag:s21] =	ssyncset.done $0x0  }
0x48: {  	[sflag:s21] =	ssyncadd.s32 $0xFFFFEC00  }
0x49: {  	_ =	swait.ge [sflag:s22], $0x1400  }
0x4a: {  	[sflag:s22] =	ssyncset.done $0x0  }
0x4b: {  	[sflag:s22] =	ssyncadd.s32 $0xFFFFEC00  }
0x4c: {  	s0 =	simm.s32 $0x0;
	[bflag:$0x0] =	sbarrier.arrive $0xFFFF  }
0x4d: {  	[tilespmem:s18], [sflag:$0x1] =	stream.indirect.gather [hbm4b:s4+s23], $0x80, s0, s23, $0xb8;
	[tilespmem:$0x1E800] =	vst v63  }
0x4e: {  	s5 =	simm.s32 $0x80  }
0x4f: {  	[tilespmem:s24], [sflag:$0x2] =	stream.indirect.gather [hbm4b:s4+s23], $0x80, s5, s23, $0xb8;
	[tilespmem:$0x1E800] =	vst v63  }
0x50: {  	_ =	swait.ge [sflag:s21], $0x3E80  }
0x51: {  	[sflag:s21] =	ssyncset.done $0x0  }
0x52: {  	s1 =	simm.s32 $0x1400;
	[sflag:s21] =	ssyncadd.s32 $0xFFFFC180  }
0x53: {  	[spmem:s2] =	stream.indirect.scatter.add.f32 [tilespmem:s18], [sflag:$0x5], $0x80, s1, s23, $0xb8;
	[tilespmem:$0x1E800] =	vst v63  }
0x54: {  	_ =	swait.ge [sflag:s25], $0x3E80  }
0x55: {  	[sflag:s25] =	ssyncset.done $0x0  }
0x56: {  	s3 =	simm.s32 $0x100;
	[sflag:s25] =	ssyncadd.s32 $0xFFFFC180  }
0x57: {  	[tilespmem:s18], [sflag:$0x1] =	stream.indirect.gather [hbm4b:s4+s23], $0x80, s3, s23, $0xb8;
	[tilespmem:$0x1E800] =	vst v63  }
0x58: {  	_ =	swait.ge [sflag:s22], $0x3E80  }
0x59: {  	[sflag:s22] =	ssyncset.done $0x0  }
0x5a: {  	s5 =	simm.s32 $0x1480;
	[sflag:s22] =	ssyncadd.s32 $0xFFFFC180  }
0x5b: {  	[spmem:s2] =	stream.indirect.scatter.add.f32 [tilespmem:s24], [sflag:$0x5], $0x80, s5, s23, $0xb8;
	[tilespmem:$0x1E800] =	vst v63  }
0x5c: {  	_ =	swait.ge [sflag:s25], $0x3E80  }
0x5d: {  	s31 =	simm.s32 $0x100;
	s0 =	simm.s32 $0x800;
	[sflag:s25] =	ssyncset.done $0x0  }
.LBB2_4:
0x5e: {  	s1 =	sadd.s32 $0x80, s31  }
0x5f: {  	[sflag:s25] =	ssyncadd.s32 $0xFFFFC180;
	s3 =	smov.u32 s0;
	s5 =	sadd.s32 $0x400, s0  }
0x60: {  	[tilespmem:s24], [sflag:$0x2] =	stream.indirect.gather [hbm4b:s4+s23], $0x80, s1, s23, $0xb8;
	[tilespmem:$0x1E800] =	vst v63  }
0x61: {  	p0 =	sne.s32 s0, $0x4800;
	_ =	swait.ge [sflag:s21], $0x3E80  }
0x62: {  	[sflag:s21] =	ssyncset.done $0x0  }
0x63: {  	s0 =	sadd.s32 $0x1400, s31;
	[sflag:s21] =	ssyncadd.s32 $0xFFFFC180  }
0x64: {  	[spmem:s2] =	stream.indirect.scatter.add.f32 [tilespmem:s18], [sflag:$0x5], $0x80, s0, s23, $0xb8;
	[tilespmem:$0x1E800] =	vst v63  }
0x65: {  	_ =	swait.ge [sflag:s25], $0x3E80  }
0x66: {  	[sflag:s25] =	ssyncset.done $0x0  }
0x67: {  	s0 =	sadd.s32 $0x100, s31;
	[sflag:s25] =	ssyncadd.s32 $0xFFFFC180  }
0x68: {  	[tilespmem:s18], [sflag:$0x1] =	stream.indirect.gather [hbm4b:s4+s23], $0x80, s0, s23, $0xb8;
	[tilespmem:$0x1E800] =	vst v63  }
0x69: {  	_ =	swait.ge [sflag:s22], $0x3E80  }
.Ltmp1:
0x6a: {  	[sflag:s22] =	ssyncset.done $0x0;
	(pc) =	sbr.rel @p0 .LBB2_4-.Ltmp1, $4  }
0x6b: {  	s0 =	sadd.s32 $0x1480, s31;
	[sflag:s22] =	ssyncadd.s32 $0xFFFFC180  }
0x6c: {  	[spmem:s2] =	stream.indirect.scatter.add.f32 [tilespmem:s24], [sflag:$0x5], $0x80, s0, s23, $0xb8;
	[tilespmem:$0x1E800] =	vst v63  }
0x6d: {  	_ =	swait.ge [sflag:s25], $0x3E80  }
0x6e: {  	s31 =	sshra.s32 s3, $0x2;
	s0 =	smov.u32 s5;
	[sflag:s25] =	ssyncset.done $0x0  }
0x6f: {  	s0 =	sadd.s32 $0x80, s31;
	[sflag:s25] =	ssyncadd.s32 $0xFFFFC180  }
0x70: {  	[tilespmem:s24], [sflag:$0x2] =	stream.indirect.gather [hbm4b:s4+s23], $0x80, s0, s23, $0xb8;
	[tilespmem:$0x1E800] =	vst v63  }
0x71: {  	_ =	swait.ge [sflag:s21], $0x3E80  }
0x72: {  	[sflag:s21] =	ssyncset.done $0x0  }
0x73: {  	s3 =	sadd.s32 $0x1400, s31;
	[sflag:s21] =	ssyncadd.s32 $0xFFFFC180  }
0x74: {  	[spmem:s2] =	stream.indirect.scatter.add.f32 [tilespmem:s18], [sflag:$0x5], $0x80, s3, s23, $0xb8;
	[tilespmem:$0x1E800] =	vst v63  }
0x75: {  	_ =	swait.ge [sflag:s25], $0x3E80  }
0x76: {  	[sflag:s25] =	ssyncset.done $0x0  }
0x77: {  	s5 =	sadd.s32 $0x100, s31;
	[sflag:s25] =	ssyncadd.s32 $0xFFFFC180  }
0x78: {  	[tilespmem:s18], [sflag:$0x1] =	stream.indirect.gather [hbm4b:s4+s23], $0x80, s5, s23, $0xb8;
	[tilespmem:$0x1E800] =	vst v63  }
0x79: {  	_ =	swait.ge [sflag:s22], $0x3E80  }
0x7a: {  	[sflag:s22] =	ssyncset.done $0x0  }
0x7b: {  	s1 =	sadd.s32 $0x1480, s31;
	[sflag:s22] =	ssyncadd.s32 $0xFFFFC180  }
0x7c: {  	[spmem:s2] =	stream.indirect.scatter.add.f32 [tilespmem:s24], [sflag:$0x5], $0x80, s1, s23, $0xb8;
	[tilespmem:$0x1E800] =	vst v63  }
0x7d: {  	_ =	swait.ge [sflag:s25], $0x3E80  }
0x7e: {  	[sflag:s25] =	ssyncset.done $0x0  }
0x7f: {  	[sflag:s25] =	ssyncadd.s32 $0xFFFFC180  }
0x80: {  	[tilespmem:s24], [sflag:$0x2] =	stream.indirect.gather [hbm4b:s4+s23], $0x80, s26, s23, $0xb8;
	[tilespmem:$0x1E800] =	vst v63  }
0x81: {  	_ =	swait.ge [sflag:s21], $0x3E80  }
0x82: {  	[sflag:s21] =	ssyncset.done $0x0  }
0x83: {  	[sflag:s21] =	ssyncadd.s32 $0xFFFFC180  }
0x84: {  	[spmem:s2] =	stream.indirect.scatter.add.f32 [tilespmem:s18], [sflag:$0x5], $0x80, s28, s23, $0xb8;
	[tilespmem:$0x1E800] =	vst v63  }
0x85: {  	_ =	swait.ge [sflag:s25], $0x3E80  }
0x86: {  	[sflag:s25] =	ssyncset.done $0x0  }
0x87: {  	[sflag:s25] =	ssyncadd.s32 $0xFFFFC180  }
0x88: {  	_ =	swait.ge [sflag:s22], $0x3E80  }
0x89: {  	[sflag:s22] =	ssyncset.done $0x0  }
0x8a: {  	[sflag:s22] =	ssyncadd.s32 $0xFFFFC180  }
0x8b: {  	[spmem:s2] =	stream.indirect.scatter.add.f32 [tilespmem:s24], [sflag:$0x5], $0x80, s29, s23, $0xb8;
	[tilespmem:$0x1E800] =	vst v63  }
0x8c: {  	_ =	swait.ge [sflag:s25], $0x3E80  }
0x8d: {  	[sflag:s25] =	ssyncset.done $0x0  }
0x8e: {  	s3 =	simm.s32 $0x0;
	[sflag:s25] =	ssyncadd.s32 $0xFFFFC180  }
0x8f: {  	[tilespmem:s3], [sflag:$0x5] =	stream.linear.gather [hbm4b:s13+s3], $0x1400, $0x38;
	[tilespmem:$0x1E800] =	vst v63  }
0x90: {  	_ =	swait.ge [sflag:s25], $0x1400  }
0x91: {  	[sflag:s25] =	ssyncset.done $0x0  }
0x92: {  	[sflag:s25] =	ssyncadd.s32 $0xFFFFEC00  }
0x93: {  	[tilespmem:s17], [sflag:$0x5] =	stream.linear.gather [hbm4b:s14+s3], $0x1400, $0x38;
	[tilespmem:$0x1E800] =	vst v63  }
0x94: {  	_ =	swait.ge [sflag:s25], $0x1400  }
0x95: {  	[sflag:s25] =	ssyncset.done $0x0  }
0x96: {  	[sflag:s25] =	ssyncadd.s32 $0xFFFFEC00  }
0x97: {  	[tilespmem:s18], [sflag:$0x1] =	stream.indirect.gather [hbm4b:s4+s23], $0x80, s3, s23, $0xb8;
	[tilespmem:$0x1E800] =	vst v63  }
0x98: {  	s5 =	simm.s32 $0x80  }
0x99: {  	[tilespmem:s24], [sflag:$0x2] =	stream.indirect.gather [hbm4b:s4+s23], $0x80, s5, s23, $0xb8;
	[tilespmem:$0x1E800] =	vst v63  }
0x9a: {  	_ =	swait.ge [sflag:s21], $0x3E80  }
0x9b: {  	[sflag:s21] =	ssyncset.done $0x0  }
0x9c: {  	s1 =	simm.s32 $0x1400;
	[sflag:s21] =	ssyncadd.s32 $0xFFFFC180  }
0x9d: {  	[spmem:s2] =	stream.indirect.scatter.add.f32 [tilespmem:s18], [sflag:$0x5], $0x80, s1, s23, $0xb8;
	[tilespmem:$0x1E800] =	vst v63  }
0x9e: {  	_ =	swait.ge [sflag:s25], $0x3E80  }
0x9f: {  	[sflag:s25] =	ssyncset.done $0x0  }
0xa0: {  	s3 =	simm.s32 $0x100;
	[sflag:s25] =	ssyncadd.s32 $0xFFFFC180  }
0xa1: {  	[tilespmem:s18], [sflag:$0x1] =	stream.indirect.gather [hbm4b:s4+s23], $0x80, s3, s23, $0xb8;
	[tilespmem:$0x1E800] =	vst v63  }
0xa2: {  	_ =	swait.ge [sflag:s22], $0x3E80  }
0xa3: {  	[sflag:s22] =	ssyncset.done $0x0  }
0xa4: {  	s5 =	simm.s32 $0x1480;
	[sflag:s22] =	ssyncadd.s32 $0xFFFFC180  }
0xa5: {  	[spmem:s2] =	stream.indirect.scatter.add.f32 [tilespmem:s24], [sflag:$0x5], $0x80, s5, s23, $0xb8;
	[tilespmem:$0x1E800] =	vst v63  }
0xa6: {  	_ =	swait.ge [sflag:s25], $0x3E80  }
0xa7: {  	s31 =	simm.s32 $0x100;
	s0 =	simm.s32 $0x800;
	[sflag:s25] =	ssyncset.done $0x0  }
.LBB2_6:
0xa8: {  	s1 =	sadd.s32 $0x80, s31  }
0xa9: {  	[sflag:s25] =	ssyncadd.s32 $0xFFFFC180;
	s3 =	smov.u32 s0;
	s5 =	sadd.s32 $0x400, s0  }
0xaa: {  	[tilespmem:s24], [sflag:$0x2] =	stream.indirect.gather [hbm4b:s4+s23], $0x80, s1, s23, $0xb8;
	[tilespmem:$0x1E800] =	vst v63  }
0xab: {  	p0 =	sne.s32 s0, $0x4800;
	_ =	swait.ge [sflag:s21], $0x3E80  }
0xac: {  	[sflag:s21] =	ssyncset.done $0x0  }
0xad: {  	s0 =	sadd.s32 $0x1400, s31;
	[sflag:s21] =	ssyncadd.s32 $0xFFFFC180  }
0xae: {  	[spmem:s2] =	stream.indirect.scatter.add.f32 [tilespmem:s18], [sflag:$0x5], $0x80, s0, s23, $0xb8;
	[tilespmem:$0x1E800] =	vst v63  }
0xaf: {  	_ =	swait.ge [sflag:s25], $0x3E80  }
0xb0: {  	[sflag:s25] =	ssyncset.done $0x0  }
0xb1: {  	s0 =	sadd.s32 $0x100, s31;
	[sflag:s25] =	ssyncadd.s32 $0xFFFFC180  }
0xb2: {  	[tilespmem:s18], [sflag:$0x1] =	stream.indirect.gather [hbm4b:s4+s23], $0x80, s0, s23, $0xb8;
	[tilespmem:$0x1E800] =	vst v63  }
0xb3: {  	_ =	swait.ge [sflag:s22], $0x3E80  }
.Ltmp2:
0xb4: {  	[sflag:s22] =	ssyncset.done $0x0;
	(pc) =	sbr.rel @p0 .LBB2_6-.Ltmp2, $4  }
0xb5: {  	s0 =	sadd.s32 $0x1480, s31;
	[sflag:s22] =	ssyncadd.s32 $0xFFFFC180  }
0xb6: {  	[spmem:s2] =	stream.indirect.scatter.add.f32 [tilespmem:s24], [sflag:$0x5], $0x80, s0, s23, $0xb8;
	[tilespmem:$0x1E800] =	vst v63  }
0xb7: {  	_ =	swait.ge [sflag:s25], $0x3E80  }
0xb8: {  	s31 =	sshra.s32 s3, $0x2;
	s0 =	smov.u32 s5;
	[sflag:s25] =	ssyncset.done $0x0  }
0xb9: {  	s0 =	sadd.s32 $0x80, s31;
	[sflag:s25] =	ssyncadd.s32 $0xFFFFC180  }
0xba: {  	[tilespmem:s24], [sflag:$0x2] =	stream.indirect.gather [hbm4b:s4+s23], $0x80, s0, s23, $0xb8;
	[tilespmem:$0x1E800] =	vst v63  }
0xbb: {  	_ =	swait.ge [sflag:s21], $0x3E80  }
0xbc: {  	[sflag:s21] =	ssyncset.done $0x0  }
0xbd: {  	s1 =	sadd.s32 $0x1400, s31;
	[sflag:s21] =	ssyncadd.s32 $0xFFFFC180  }
0xbe: {  	[spmem:s2] =	stream.indirect.scatter.add.f32 [tilespmem:s18], [sflag:$0x5], $0x80, s1, s23, $0xb8;
	[tilespmem:$0x1E800] =	vst v63  }
0xbf: {  	_ =	swait.ge [sflag:s25], $0x3E80  }
0xc0: {  	[sflag:s25] =	ssyncset.done $0x0  }
0xc1: {  	s3 =	sadd.s32 $0x100, s31;
	[sflag:s25] =	ssyncadd.s32 $0xFFFFC180  }
0xc2: {  	[tilespmem:s18], [sflag:$0x1] =	stream.indirect.gather [hbm4b:s4+s23], $0x80, s3, s23, $0xb8;
	[tilespmem:$0x1E800] =	vst v63  }
0xc3: {  	_ =	swait.ge [sflag:s22], $0x3E80  }
0xc4: {  	[sflag:s22] =	ssyncset.done $0x0  }
0xc5: {  	s5 =	sadd.s32 $0x1480, s31;
	[sflag:s22] =	ssyncadd.s32 $0xFFFFC180  }
0xc6: {  	[spmem:s2] =	stream.indirect.scatter.add.f32 [tilespmem:s24], [sflag:$0x5], $0x80, s5, s23, $0xb8;
	[tilespmem:$0x1E800] =	vst v63  }
0xc7: {  	_ =	swait.ge [sflag:s25], $0x3E80  }
0xc8: {  	[sflag:s25] =	ssyncset.done $0x0  }
0xc9: {  	[sflag:s25] =	ssyncadd.s32 $0xFFFFC180  }
0xca: {  	[tilespmem:s24], [sflag:$0x2] =	stream.indirect.gather [hbm4b:s4+s23], $0x80, s26, s23, $0xb8;
	[tilespmem:$0x1E800] =	vst v63  }
0xcb: {  	_ =	swait.ge [sflag:s21], $0x3E80  }
0xcc: {  	[sflag:s21] =	ssyncset.done $0x0  }
0xcd: {  	[sflag:s21] =	ssyncadd.s32 $0xFFFFC180  }
0xce: {  	[spmem:s2] =	stream.indirect.scatter.add.f32 [tilespmem:s18], [sflag:$0x5], $0x80, s28, s23, $0xb8;
	[tilespmem:$0x1E800] =	vst v63  }
0xcf: {  	_ =	swait.ge [sflag:s25], $0x3E80  }
0xd0: {  	[sflag:s25] =	ssyncset.done $0x0  }
0xd1: {  	[sflag:s25] =	ssyncadd.s32 $0xFFFFC180  }
0xd2: {  	_ =	swait.ge [sflag:s22], $0x3E80  }
0xd3: {  	[sflag:s22] =	ssyncset.done $0x0  }
0xd4: {  	[sflag:s22] =	ssyncadd.s32 $0xFFFFC180  }
0xd5: {  	[spmem:s2] =	stream.indirect.scatter.add.f32 [tilespmem:s24], [sflag:$0x5], $0x80, s29, s23, $0xb8;
	[tilespmem:$0x1E800] =	vst v63  }
0xd6: {  	s31 =	stileid.u32;
	_ =	swait.ge [sflag:s25], $0x3E80  }
0xd7: {  	s30 =	sadd.s32 $0x1, s30;
	s0 =	sshll.u32 s31, $0x6;
	[sflag:s25] =	ssyncset.done $0x0  }
0xd8: {  	p0 =	sne.s32 s30, s16;
	s0 =	sor.u32 $0x1C05, s0;
	[sflag:s25] =	ssyncadd.s32 $0xFFFFC180  }
.Ltmp3:
0xd9: {  	s1 =	sshrl.u32 s6, $0x3;
	[bflag:$0x0] =	sbarrier.arrive $0xFFFF;
	(pc) =	sbr.rel @p0 .LBB2_1-.Ltmp3, $4  }
0xda: {  	[hbm:s15], [sflag:s0] =	dma.local [spmem:s1], $0x2800  }
0xdb: {  	_ =	swait.ge [sflag:s25], $0x2800  }
0xdc: {  	[sflag:s25] =	ssyncset.done $0x0  }
0xdd: {  	[sflag:s25] =	ssyncadd.s32 $0xFFFFD800  }
0xde: {  	_ =	sfence.sel $0x180000  }
0xdf: {  	[bflag:$0x0] =	sbarrier.arrive $0xFFFF  }
0xe0: {  	_ =	strace $0x9000004A  }
0xe1: {  	s0 =	stileid.u32;
	[bflag:$0x2] =	sbarrier.arrive $0xFFFF  }
0xe2: {  	p0 =	sne.s32 s0, $0x0;
	s0 =	rddreg [dreg:$0x3]  }
0xe3: {  	s0 =	sadd.s32 @!p0 $0x100000, s0  }
0xe4: {  	[sflag:s0] =	ssyncadd.tile.s32 @!p0 $0x1;
	_ =	shalt  }
.Lfunc_end2:
_tile_overlayer_lowered:
.L_overlay_start_2:
0xe5: {  	(tag) =	ssettag $0x2  }
0xe6: {  	s0 =	rddreg [dreg:$0x0];
	s2 =	stileid.u32  }
0xe7: {  	s1 =	rddreg [dreg:$0x1];
	p0 =	sne.s32 s2, $0x0  }
0xe8: {  	s3 =	rddreg [dreg:$0x2];
	[bflag:$0x3] =	sbarrier.arrive $0xFFFF;
	s2 =	simm.s32 @!p0 $0x1C05  }
0xe9: {  	[timem:s3], [sflag:s2] =	dma.local @!p0 [hbm:s0], s1  }
0xea: {  	s0 =	simm.s32 @!p0 $0x5  }
0xeb: {  	_ =	swait.ge @!p0 [sflag:s0], s1  }
0xec: {  	s1 =	ssub.s32 @!p0 $0x0, s1;
	[sflag:s0] =	ssyncset.done @!p0 $0x0  }
0xed: {  	[sflag:s0] =	ssyncadd.s32 @!p0 s1  }
0xee: {  	[bflag:$0x3] =	sbarrier.arrive $0xFFFF  }
0xef: {  	_ =	shalt  }

</sc_bundles>
